<compile_context>
chip_gen: v7x
topology: tpu7x:2x2x1
jax: 0.10.2.dev20260603
libtpu: 0.0.44.dev20260713+nightly
codegen_flags: <defaults>
</compile_context>

<pallas_src>
import functools

import jax
import jax.numpy as jnp
import numpy as np
from jax.experimental import pallas as pl
from jax.experimental.pallas import tpu as pltpu

N_EXPERTS = 64
N_GROUPS = 4
GROUP_SIZE = 16
TOP_K = 8
LANES = 128
BLOCK = 1024
HALF = 8192
GRID = HALF // BLOCK

_MM = functools.partial(jax.lax.dot_general,
                        dimension_numbers=(((1,), (0,)), ((), ())),
                        preferred_element_type=jnp.float32)


def _half_sum_matrix():
    l = np.arange(LANES)
    return jnp.asarray((l[:, None] // 64 == l[None, :] // 64),
                       dtype=np.float32)


def _proj_matrices():
    p1 = np.zeros((LANES, 16), np.float32)
    p2 = np.zeros((LANES, 16), np.float32)
    for c in range(16):
        h, j = divmod(c, 8)
        g, rank = divmod(j, 2)
        (p1 if rank == 0 else p2)[64 * h + 16 * g, c] = 1.0
    return jnp.asarray(p1), jnp.asarray(p2)


def _router_body(xa_ref, xb_ref, j2_ref, p1_ref, p2_ref,
                 rw_ref, tw_ref, ids_ref, hist_ref, acc_ref):
    x = jnp.concatenate([xa_ref[...], xb_ref[...]], axis=1)
    e = jnp.exp(x)

    lane = jax.lax.broadcasted_iota(jnp.int32, (1, LANES), 1)
    lane64 = lane & 63
    lanekey = 63 - lane64
    key = (jax.lax.bitcast_convert_type(e, jnp.int32) & ~63) | lanekey
    keyf = jax.lax.bitcast_convert_type(key, jnp.float32)

    def seg_max(k):
        for s in (1, 2, 4, 8):
            idx = jax.lax.broadcasted_iota(jnp.int32, k.shape, 1) ^ s
            k = jnp.maximum(k, jnp.take_along_axis(k, idx, axis=1))
        return k

    k1 = jax.lax.bitcast_convert_type(seg_max(keyf), jnp.int32)
    i1 = 63 - (k1 & 63)
    m1 = jax.lax.bitcast_convert_type(k1 & ~63, jnp.float32)
    is1 = lane64 == i1
    k2 = jax.lax.bitcast_convert_type(
        seg_max(jnp.where(is1, 0.0, keyf)), jnp.int32)
    i2 = 63 - (k2 & 63)
    m2 = jax.lax.bitcast_convert_type(k2 & ~63, jnp.float32)
    is2 = lane64 == i2
    sel = jnp.where(is1 | is2, 1.0, 0.0).astype(jnp.float32)

    j2 = j2_ref[...]
    rowsum = _MM(e, j2)
    rw = e / rowsum
    rw_ref[0] = rw[:, :64]
    rw_ref[1] = rw[:, 64:]

    den = _MM(sel * e, j2)
    rden = 1.0 / den
    p1 = p1_ref[...]
    p2 = p2_ref[...]
    tw16 = _MM(m1 * rden, p1) + _MM(m2 * rden, p2)
    tw_ref[0] = tw16[:, :8]
    tw_ref[1] = tw16[:, 8:]
    idsf = _MM(i1.astype(jnp.float32), p1) + _MM(i2.astype(jnp.float32), p2)
    ids16 = idsf.astype(jnp.int32)
    ids_ref[0] = ids16[:, :8]
    ids_ref[1] = ids16[:, 8:]

    @pl.when(pl.program_id(0) == 0)
    def _():
        acc_ref[...] = jnp.zeros_like(acc_ref)

    acc_ref[...] += jnp.sum(sel, axis=0, keepdims=True)

    @pl.when(pl.program_id(0) == pl.num_programs(0) - 1)
    def _():
        acc = acc_ref[...]
        hist_ref[...] = acc[:, :64] + acc[:, 64:]


NC = 2
NS = 16
NW = NC * NS


def _sc_router(x_flat, seq):
    from jax.experimental.pallas import tpu_sc as plsc
    tpw = seq // NW

    mesh = plsc.VectorSubcoreMesh(core_axis_name="c", subcore_axis_name="s")

    @functools.partial(
        pl.kernel,
        mesh=mesh,
        out_type=[
            jax.ShapeDtypeStruct((seq * 64,), jnp.float32),
            jax.ShapeDtypeStruct((seq * 8,), jnp.float32),
            jax.ShapeDtypeStruct((seq * 8,), jnp.int32),
            jax.ShapeDtypeStruct((NW * 64,), jnp.float32),
        ],
        compiler_params=pltpu.CompilerParams(needs_layout_passes=False),
        scratch_types=[
            pltpu.VMEM((tpw * 64,), jnp.float32),
            pltpu.VMEM((tpw * 64,), jnp.float32),
            pltpu.VMEM((tpw * 8,), jnp.float32),
            pltpu.VMEM((tpw * 8,), jnp.int32),
            pltpu.VMEM((64,), jnp.float32),
        ],
    )
    def sc_k(x_hbm, rw_hbm, tw_hbm, ids_hbm, hist_hbm,
             x_v, rw_v, tw_v, ids_v, hist_v):
        wid = jax.lax.axis_index("s") * NC + jax.lax.axis_index("c")
        pltpu.sync_copy(x_hbm.at[pl.ds(wid * tpw * 64, tpw * 64)], x_v)
        zero16 = jnp.zeros((16,), jnp.float32)
        for i in range(4):
            hist_v[pl.ds(i * 16, 16)] = zero16
        iota = jax.lax.iota(jnp.int32, 16)
        lt2 = iota < 2
        ones16 = jnp.ones((16,), jnp.float32)

        mask63 = jnp.full((16,), ~63, jnp.int32)

        def body(t, carry):
            base = t * 64
            evs = []
            keys = []
            tot = jnp.float32(0.0)
            for g in range(4):
                v = x_v[pl.ds(base + g * 16, 16)]
                ev = jnp.exp(v)
                evs.append(ev)
                tot = tot + jnp.sum(ev)
                kb = jax.lax.bitcast_convert_type(ev, jnp.int32)
                keys.append(jax.lax.bitcast_convert_type(
                    (kb & mask63) | (63 - iota), jnp.float32))
            r = jnp.ones((16,), jnp.float32) / tot
            svs = []
            sis = []
            sels = []
            den = jnp.float32(0.0)
            for g in range(4):
                rw_v[pl.ds(base + g * 16, 16)] = evs[g] * r
                kv, si = plsc.sort_key_val(keys[g], iota + g * 16,
                                           descending=True)
                sve = jax.lax.bitcast_convert_type(
                    jax.lax.bitcast_convert_type(kv, jnp.int32) & mask63,
                    jnp.float32)
                thr = jnp.sum(jnp.where(iota == 1, kv, zero16))
                sels.append(keys[g] >= thr)
                svs.append(sve)
                sis.append(si)
                den = den + jnp.sum(jnp.where(lt2, sve, zero16))
            rd = jnp.ones((16,), jnp.float32) / den
            t8 = t * 8
            hs = []
            for g in range(4):
                dest = t8 + 2 * g + iota
                plsc.store_scatter(tw_v, [dest], svs[g] * rd, mask=lt2)
                plsc.store_scatter(ids_v, [dest], sis[g], mask=lt2)
                hs.append(carry[g]
                          + jnp.where(sels[g], 1.0, 0.0).astype(jnp.float32))
            return tuple(hs)

        hists = plsc.parallel_loop(0, tpw, unroll=2,
                                   carry=(zero16, zero16, zero16, zero16))(
                                       body)
        for g in range(4):
            hist_v[pl.ds(g * 16, 16)] = hists[g]
        pltpu.sync_copy(rw_v, rw_hbm.at[pl.ds(wid * tpw * 64, tpw * 64)])
        pltpu.sync_copy(tw_v, tw_hbm.at[pl.ds(wid * tpw * 8, tpw * 8)])
        pltpu.sync_copy(ids_v, ids_hbm.at[pl.ds(wid * tpw * 8, tpw * 8)])
        pltpu.sync_copy(hist_v, hist_hbm.at[pl.ds(wid * 64, 64)])

    return sc_k(x_flat)


def _sc_router_partial(x_flat, sc_tokens):
    return _sc_router(x_flat, sc_tokens)


def _hist_reduce_body(parts_ref, out_ref):
    out_ref[...] = jnp.sum(parts_ref[...], axis=0, keepdims=True)


def _hist_reduce(parts):
    return pl.pallas_call(
        _hist_reduce_body,
        out_shape=jax.ShapeDtypeStruct((1, N_EXPERTS), jnp.float32),
    )(parts)


def _kernel_sc_all(logits):
    seq = logits.shape[0]
    x_flat = logits.reshape(seq * 64)
    rw, tw, ids, hist_parts = _sc_router(x_flat, seq)
    hist = _hist_reduce(hist_parts.reshape(NW, 64))
    return (logits,
            rw.reshape(seq, N_EXPERTS),
            tw.reshape(seq, TOP_K),
            ids.reshape(seq, TOP_K),
            hist.reshape(N_EXPERTS))


def _tc_router(logits, start, count, block):
    half = count // 2
    gridn = half // block
    s_blk = start // block
    rw, tw, ids, hist = pl.pallas_call(
        _router_body,
        grid=(gridn,),
        in_specs=[
            pl.BlockSpec((block, N_EXPERTS), lambda i: (s_blk + i, 0)),
            pl.BlockSpec((block, N_EXPERTS),
                         lambda i: (s_blk + gridn + i, 0)),
            pl.BlockSpec((LANES, LANES), lambda i: (0, 0)),
            pl.BlockSpec((LANES, 16), lambda i: (0, 0)),
            pl.BlockSpec((LANES, 16), lambda i: (0, 0)),
        ],
        out_specs=[
            pl.BlockSpec((2, block, N_EXPERTS), lambda i: (0, i, 0)),
            pl.BlockSpec((2, block, TOP_K), lambda i: (0, i, 0)),
            pl.BlockSpec((2, block, TOP_K), lambda i: (0, i, 0)),
            pl.BlockSpec((1, N_EXPERTS), lambda i: (0, 0)),
        ],
        out_shape=[
            jax.ShapeDtypeStruct((2, half, N_EXPERTS), jnp.float32),
            jax.ShapeDtypeStruct((2, half, TOP_K), jnp.float32),
            jax.ShapeDtypeStruct((2, half, TOP_K), jnp.int32),
            jax.ShapeDtypeStruct((1, N_EXPERTS), jnp.float32),
        ],
        scratch_shapes=[pltpu.VMEM((1, LANES), jnp.float32)],
    )(logits, logits, _half_sum_matrix(), *_proj_matrices())
    return (rw.reshape(count, N_EXPERTS),
            tw.reshape(count, TOP_K),
            ids.reshape(count, TOP_K),
            hist)


SC_TOKENS = 8192


def _hist_merge_body(parts_ref, tc_ref, out_ref):
    out_ref[...] = (jnp.sum(parts_ref[...], axis=0, keepdims=True)
                    + tc_ref[...])


def kernel(logits):
    seq = logits.shape[0]
    x_flat = logits.reshape(seq * 64)
    rw_s, tw_s, ids_s, hist_parts = _sc_router(x_flat, SC_TOKENS)
    rw_t, tw_t, ids_t, hist_t = _tc_router(
        logits, SC_TOKENS, seq - SC_TOKENS, 512)
    hist = pl.pallas_call(
        _hist_merge_body,
        out_shape=jax.ShapeDtypeStruct((1, N_EXPERTS), jnp.float32),
    )(hist_parts.reshape(NW, 64), hist_t)
    return (logits,
            jnp.concatenate([rw_s.reshape(SC_TOKENS, N_EXPERTS), rw_t]),
            jnp.concatenate([tw_s.reshape(SC_TOKENS, TOP_K), tw_t]),
            jnp.concatenate([ids_s.reshape(SC_TOKENS, TOP_K), ids_t]),
            hist.reshape(N_EXPERTS))

# --- scband reference (transcript-rebuilt; emitter-appended) ---
"""Pipeline reference for scband-greedy-grouped-router-49417893708016 (READ-ONLY COPY).

The authoritative reference and input builder live on the scoring server;
editing this copy changes nothing except your own understanding.
"""

import jax, jax.numpy as jnp
import numpy as np

N_EXPERTS = 64
TOP_K = 8
N_GROUPS = 4
GROUP_SIZE = N_EXPERTS // N_GROUPS


def setup_inputs(seed: int = 0) -> dict:
    key = jax.random.key(seed)
    logits = jax.random.normal(key, (16384, N_EXPERTS), dtype=jnp.float32)
    return {"logits": logits}


def reference(logits):
    # scoring_func == 'softmax'
    routing_weights = jax.nn.softmax(logits.astype(jnp.float32), axis=1)
    seq = logits.shape[0]
    # grouped greedy top-k: top (TOP_K // N_GROUPS) experts within each group
    scores_for_choice = routing_weights.reshape(seq, N_GROUPS, GROUP_SIZE)
    _, group_local_max_idx = jax.lax.top_k(scores_for_choice, TOP_K // N_GROUPS)
    group_offsets = (jnp.arange(N_GROUPS, dtype=group_local_max_idx.dtype) * GROUP_SIZE).reshape(1, -1, 1)
    topk_ids = (group_local_max_idx + group_offsets).reshape(seq, -1)
    scores_flat = scores_for_choice.reshape(seq, N_EXPERTS)
    topk_weights = jnp.take_along_axis(scores_flat, topk_ids, axis=1)
    # norm_topk_prob == True
    denominator = jnp.sum(topk_weights, axis=-1, keepdims=True) + 1e-20
    topk_weights = topk_weights / denominator
    # router_scaling_factor == 1.0 -> no-op
    # torch.histc(topk_ids, bins=N_EXPERTS, min=0, max=N_EXPERTS) with unit bin width == bincount
    tokens_per_expert = jnp.bincount(topk_ids.reshape(-1), length=N_EXPERTS).astype(jnp.float32)
    return (logits, routing_weights, topk_weights, topk_ids, tokens_per_expert)

if __name__ == "__main__":
    import jax
    _d = setup_inputs()
    print(jax.jit(kernel)(*tuple(_d.values())))

</pallas_src>

<mosaic_0001>
#map = affine_map<(d0, d1) -> (0)>
module attributes {stable_mosaic.version = 14 : i64} {
  func.func @sc_k(%arg0: i32, %arg1: i32, %arg2: memref<1048576xf32, #tpu.memory_space<hbm>>, %arg3: memref<524288xf32, #tpu.memory_space<hbm>>, %arg4: memref<65536xf32, #tpu.memory_space<hbm>>, %arg5: memref<65536xi32, #tpu.memory_space<hbm>>, %arg6: memref<2048xf32, #tpu.memory_space<hbm>>, %arg7: memref<16384xf32, #tpu.memory_space<vmem>>, %arg8: memref<16384xf32, #tpu.memory_space<vmem>>, %arg9: memref<2048xf32, #tpu.memory_space<vmem>>, %arg10: memref<2048xi32, #tpu.memory_space<vmem>>, %arg11: memref<64xf32, #tpu.memory_space<vmem>>) attributes {dimension_semantics = [#tpu.dimension_semantics<core_parallel>, #tpu.dimension_semantics<subcore_parallel>], iteration_bounds = array<i64: 2, 16>, scalar_prefetch = 0 : i64, scratch_operands = 5 : i64, tpu.core_type = #tpu.core_type<sc_vector_subcore>, window_params = [{transform_indices = #map}, {transform_indices = #map}, {transform_indices = #map}, {transform_indices = #map}, {transform_indices = #map}]} {
    %mul3A = arith.constant 2 : i32
    %mul3A_0 = arith.muli %arg1, %mul3A : i32
    %add3A = arith.addi %mul3A_0, %arg0 : i32
    %mul3A_1 = arith.constant 256 : i32
    %mul3A_2 = arith.muli %add3A, %mul3A_1 : i32
    %mul3A_3 = arith.constant 64 : i32
    %mul3A_4 = arith.muli %mul3A_2, %mul3A_3 : i32
    "tpu.region"() ({
      %run_scoped3A = tpu.sem_alloc : memref<!tpu.dma_semaphore, #tpu.memory_space<semaphore_mem>>
      %dma_start3A = tpu.memref_slice %arg2[%mul3A_4] : memref<1048576xf32, #tpu.memory_space<hbm>> -> memref<16384xf32, #tpu.memory_space<hbm>>
      %dma_start3A_44 = tpu.memref_slice %arg2[%mul3A_4] : memref<1048576xf32, #tpu.memory_space<hbm>> -> memref<16384xf32, #tpu.memory_space<hbm>>
      tpu.enqueue_dma source(%dma_start3A_44 : memref<16384xf32, #tpu.memory_space<hbm>>) target(%arg7 : memref<16384xf32, #tpu.memory_space<vmem>>) target_semaphore(%run_scoped3A : memref<!tpu.dma_semaphore, #tpu.memory_space<semaphore_mem>>)
      %dma_wait3A = tpu.memref_slice %arg2[%mul3A_4] : memref<1048576xf32, #tpu.memory_space<hbm>> -> memref<16384xf32, #tpu.memory_space<hbm>>
      %dma_wait3A_45 = tpu.memref_slice %arg2[%mul3A_4] : memref<1048576xf32, #tpu.memory_space<hbm>> -> memref<16384xf32, #tpu.memory_space<hbm>>
      tpu.wait_dma2 semaphore(%run_scoped3A : memref<!tpu.dma_semaphore, #tpu.memory_space<semaphore_mem>>) src(%dma_wait3A_45 : memref<16384xf32, #tpu.memory_space<hbm>>) dst(%arg7 : memref<16384xf32, #tpu.memory_space<vmem>>)
      tpu.yield
    }) : () -> ()
    %broadcast_in_dim3A = arith.constant 0.000000e+00 : f32
    %broadcast_in_dim3A_5 = vector.broadcast %broadcast_in_dim3A : f32 to vector<16xf32>
    %swap3A = arith.constant 0 : index
    %swap3A_6 = tpu.vector_load %arg11[%swap3A] {strides = array<i32>} : memref<64xf32, #tpu.memory_space<vmem>>, vector<16xf32>,
    tpu.vector_store %arg11[%swap3A], %broadcast_in_dim3A_5 {strides = array<i32>} : memref<64xf32, #tpu.memory_space<vmem>>, vector<16xf32>,
    %swap3A_7 = arith.constant 16 : index
    %swap3A_8 = tpu.vector_load %arg11[%swap3A_7] {strides = array<i32>} : memref<64xf32, #tpu.memory_space<vmem>>, vector<16xf32>,
    tpu.vector_store %arg11[%swap3A_7], %broadcast_in_dim3A_5 {strides = array<i32>} : memref<64xf32, #tpu.memory_space<vmem>>, vector<16xf32>,
    %swap3A_9 = arith.constant 32 : index
    %swap3A_10 = tpu.vector_load %arg11[%swap3A_9] {strides = array<i32>} : memref<64xf32, #tpu.memory_space<vmem>>, vector<16xf32>,
    tpu.vector_store %arg11[%swap3A_9], %broadcast_in_dim3A_5 {strides = array<i32>} : memref<64xf32, #tpu.memory_space<vmem>>, vector<16xf32>,
    %swap3A_11 = arith.constant 48 : index
    %swap3A_12 = tpu.vector_load %arg11[%swap3A_11] {strides = array<i32>} : memref<64xf32, #tpu.memory_space<vmem>>, vector<16xf32>,
    tpu.vector_store %arg11[%swap3A_11], %broadcast_in_dim3A_5 {strides = array<i32>} : memref<64xf32, #tpu.memory_space<vmem>>, vector<16xf32>,
    %iota3A = tpu.iota {dimensions = array<i32: 0>} : vector<16xi32>
    %lt3A = arith.constant 2 : i32
    %lt3A_13 = vector.broadcast %lt3A : i32 to vector<16xi32>
    %lt3A_14 = arith.cmpi slt, %iota3A, %lt3A_13 : vector<16xi32>
    %broadcast_in_dim3A_15 = arith.constant 1.000000e+00 : f32
    %broadcast_in_dim3A_16 = vector.broadcast %broadcast_in_dim3A_15 : f32 to vector<16xf32>
    %broadcast_in_dim3A_17 = arith.constant -64 : i32
    %broadcast_in_dim3A_18 = vector.broadcast %broadcast_in_dim3A_17 : i32 to vector<16xi32>
    %parallel_loop3A = arith.constant 0 : i32
    %parallel_loop3A_19 = arith.constant 256 : i32
    %parallel_loop3A_20 = arith.constant 1 : i32
    %parallel_loop3A_21:4 = scf.for %parallel_loop3A_44 = %parallel_loop3A to %parallel_loop3A_19 step %parallel_loop3A_20 iter_args(%parallel_loop3A_45 = %broadcast_in_dim3A_5, %parallel_loop3A_46 = %broadcast_in_dim3A_5, %parallel_loop3A_47 = %broadcast_in_dim3A_5, %parallel_loop3A_48 = %broadcast_in_dim3A_5) -> (vector<16xf32>, vector<16xf32>, vector<16xf32>, vector<16xf32>)  : i32 {
      %parallel_loop3A_49 = arith.constant 64 : i32
      %parallel_loop3A_50 = arith.muli %parallel_loop3A_44, %parallel_loop3A_49 : i32
      %parallel_loop3A_51 = arith.constant 0 : i32
      %parallel_loop3A_52 = arith.addi %parallel_loop3A_50, %parallel_loop3A_51 : i32
      %parallel_loop3A_53 = arith.index_cast %parallel_loop3A_52 : i32 to index
      %parallel_loop3A_54 = tpu.vector_load %arg7[%parallel_loop3A_53] {strides = array<i32>} : memref<16384xf32, #tpu.memory_space<vmem>>, vector<16xf32>,
      %parallel_loop3A_55 = math.exp %parallel_loop3A_54 : vector<16xf32>
      %parallel_loop3A_56 = arith.constant true
      %parallel_loop3A_57 = vector.broadcast %parallel_loop3A_56 : i1 to vector<16xi1>
      %parallel_loop3A_58 = tpu.scan <sum>, %parallel_loop3A_55 masked %parallel_loop3A_57 : vector<16xf32>, vector<16xi1> -> vector<16xf32>
      %parallel_loop3A_59 = vector.extract %parallel_loop3A_58[15] : f32 from vector<16xf32>
      %parallel_loop3A_60 = arith.constant 0.000000e+00 : f32
      %parallel_loop3A_61 = arith.addf %parallel_loop3A_60, %parallel_loop3A_59 : f32
      %parallel_loop3A_62 = tpu.bitcast %parallel_loop3A_55 : vector<16xf32> -> vector<16xi32>
      %parallel_loop3A_63 = arith.andi %parallel_loop3A_62, %broadcast_in_dim3A_18 : vector<16xi32>
      %parallel_loop3A_64 = arith.constant 63 : i32
      %parallel_loop3A_65 = vector.broadcast %parallel_loop3A_64 : i32 to vector<16xi32>
      %parallel_loop3A_66 = arith.subi %parallel_loop3A_65, %iota3A : vector<16xi32>
      %parallel_loop3A_67 = arith.ori %parallel_loop3A_63, %parallel_loop3A_66 : vector<16xi32>
      %parallel_loop3A_68 = tpu.bitcast %parallel_loop3A_67 : vector<16xi32> -> vector<16xf32>
      %parallel_loop3A_69 = arith.constant 16 : i32
      %parallel_loop3A_70 = arith.addi %parallel_loop3A_50, %parallel_loop3A_69 : i32
      %parallel_loop3A_71 = arith.index_cast %parallel_loop3A_70 : i32 to index
      %parallel_loop3A_72 = tpu.vector_load %arg7[%parallel_loop3A_71] {strides = array<i32>} : memref<16384xf32, #tpu.memory_space<vmem>>, vector<16xf32>,
      %parallel_loop3A_73 = math.exp %parallel_loop3A_72 : vector<16xf32>
      %parallel_loop3A_74 = arith.constant true
      %parallel_loop3A_75 = vector.broadcast %parallel_loop3A_74 : i1 to vector<16xi1>
      %parallel_loop3A_76 = tpu.scan <sum>, %parallel_loop3A_73 masked %parallel_loop3A_75 : vector<16xf32>, vector<16xi1> -> vector<16xf32>
      %parallel_loop3A_77 = vector.extract %parallel_loop3A_76[15] : f32 from vector<16xf32>
      %parallel_loop3A_78 = arith.addf %parallel_loop3A_61, %parallel_loop3A_77 : f32
      %parallel_loop3A_79 = tpu.bitcast %parallel_loop3A_73 : vector<16xf32> -> vector<16xi32>
      %parallel_loop3A_80 = arith.andi %parallel_loop3A_79, %broadcast_in_dim3A_18 : vector<16xi32>
      %parallel_loop3A_81 = arith.constant 63 : i32
      %parallel_loop3A_82 = vector.broadcast %parallel_loop3A_81 : i32 to vector<16xi32>
      %parallel_loop3A_83 = arith.subi %parallel_loop3A_82, %iota3A : vector<16xi32>
      %parallel_loop3A_84 = arith.ori %parallel_loop3A_80, %parallel_loop3A_83 : vector<16xi32>
      %parallel_loop3A_85 = tpu.bitcast %parallel_loop3A_84 : vector<16xi32> -> vector<16xf32>
      %parallel_loop3A_86 = arith.constant 32 : i32
      %parallel_loop3A_87 = arith.addi %parallel_loop3A_50, %parallel_loop3A_86 : i32
      %parallel_loop3A_88 = arith.index_cast %parallel_loop3A_87 : i32 to index
      %parallel_loop3A_89 = tpu.vector_load %arg7[%parallel_loop3A_88] {strides = array<i32>} : memref<16384xf32, #tpu.memory_space<vmem>>, vector<16xf32>,
      %parallel_loop3A_90 = math.exp %parallel_loop3A_89 : vector<16xf32>
      %parallel_loop3A_91 = arith.constant true
      %parallel_loop3A_92 = vector.broadcast %parallel_loop3A_91 : i1 to vector<16xi1>
      %parallel_loop3A_93 = tpu.scan <sum>, %parallel_loop3A_90 masked %parallel_loop3A_92 : vector<16xf32>, vector<16xi1> -> vector<16xf32>
      %parallel_loop3A_94 = vector.extract %parallel_loop3A_93[15] : f32 from vector<16xf32>
      %parallel_loop3A_95 = arith.addf %parallel_loop3A_78, %parallel_loop3A_94 : f32
      %parallel_loop3A_96 = tpu.bitcast %parallel_loop3A_90 : vector<16xf32> -> vector<16xi32>
      %parallel_loop3A_97 = arith.andi %parallel_loop3A_96, %broadcast_in_dim3A_18 : vector<16xi32>
      %parallel_loop3A_98 = arith.constant 63 : i32
      %parallel_loop3A_99 = vector.broadcast %parallel_loop3A_98 : i32 to vector<16xi32>
      %parallel_loop3A_100 = arith.subi %parallel_loop3A_99, %iota3A : vector<16xi32>
      %parallel_loop3A_101 = arith.ori %parallel_loop3A_97, %parallel_loop3A_100 : vector<16xi32>
      %parallel_loop3A_102 = tpu.bitcast %parallel_loop3A_101 : vector<16xi32> -> vector<16xf32>
      %parallel_loop3A_103 = arith.constant 48 : i32
      %parallel_loop3A_104 = arith.addi %parallel_loop3A_50, %parallel_loop3A_103 : i32
      %parallel_loop3A_105 = arith.index_cast %parallel_loop3A_104 : i32 to index
      %parallel_loop3A_106 = tpu.vector_load %arg7[%parallel_loop3A_105] {strides = array<i32>} : memref<16384xf32, #tpu.memory_space<vmem>>, vector<16xf32>,
      %parallel_loop3A_107 = math.exp %parallel_loop3A_106 : vector<16xf32>
      %parallel_loop3A_108 = arith.constant true
      %parallel_loop3A_109 = vector.broadcast %parallel_loop3A_108 : i1 to vector<16xi1>
      %parallel_loop3A_110 = tpu.scan <sum>, %parallel_loop3A_107 masked %parallel_loop3A_109 : vector<16xf32>, vector<16xi1> -> vector<16xf32>
      %parallel_loop3A_111 = vector.extract %parallel_loop3A_110[15] : f32 from vector<16xf32>
      %parallel_loop3A_112 = arith.addf %parallel_loop3A_95, %parallel_loop3A_111 : f32
      %parallel_loop3A_113 = tpu.bitcast %parallel_loop3A_107 : vector<16xf32> -> vector<16xi32>
      %parallel_loop3A_114 = arith.andi %parallel_loop3A_113, %broadcast_in_dim3A_18 : vector<16xi32>
      %parallel_loop3A_115 = arith.constant 63 : i32
      %parallel_loop3A_116 = vector.broadcast %parallel_loop3A_115 : i32 to vector<16xi32>
      %parallel_loop3A_117 = arith.subi %parallel_loop3A_116, %iota3A : vector<16xi32>
      %parallel_loop3A_118 = arith.ori %parallel_loop3A_114, %parallel_loop3A_117 : vector<16xi32>
      %parallel_loop3A_119 = tpu.bitcast %parallel_loop3A_118 : vector<16xi32> -> vector<16xf32>
      %parallel_loop3A_120 = arith.constant 1.000000e+00 : f32
      %parallel_loop3A_121 = vector.broadcast %parallel_loop3A_120 : f32 to vector<16xf32>
      %parallel_loop3A_122 = vector.broadcast %parallel_loop3A_112 : f32 to vector<16xf32>
      %parallel_loop3A_123 = arith.divf %parallel_loop3A_121, %parallel_loop3A_122 : vector<16xf32>
      %parallel_loop3A_124 = arith.mulf %parallel_loop3A_55, %parallel_loop3A_123 : vector<16xf32>
      %parallel_loop3A_125 = arith.constant 0 : i32
      %parallel_loop3A_126 = arith.addi %parallel_loop3A_50, %parallel_loop3A_125 : i32
      %parallel_loop3A_127 = arith.index_cast %parallel_loop3A_126 : i32 to index
      %parallel_loop3A_128 = tpu.vector_load %arg8[%parallel_loop3A_127] {strides = array<i32>} : memref<16384xf32, #tpu.memory_space<vmem>>, vector<16xf32>,
      tpu.vector_store %arg8[%parallel_loop3A_127], %parallel_loop3A_124 {strides = array<i32>} : memref<16384xf32, #tpu.memory_space<vmem>>, vector<16xf32>,
      %parallel_loop3A_129 = arith.constant 0 : i32
      %parallel_loop3A_130 = vector.broadcast %parallel_loop3A_129 : i32 to vector<16xi32>
      %parallel_loop3A_131 = arith.addi %iota3A, %parallel_loop3A_130 : vector<16xi32>
      %parallel_loop3A_132 = arith.constant dense<true> : vector<16xi1>
      %parallel_loop3A_133, %parallel_loop3A_134, %parallel_loop3A_135 = tpu.sort %parallel_loop3A_68, %parallel_loop3A_131 masked %parallel_loop3A_132 {descending = true} : (vector<16xf32>, vector<16xi32>, vector<16xi1>) -> (vector<16xi1>, vector<16xf32>, vector<16xi32>)
      %parallel_loop3A_136 = tpu.bitcast %parallel_loop3A_134 : vector<16xf32> -> vector<16xi32>
      %parallel_loop3A_137 = arith.andi %parallel_loop3A_136, %broadcast_in_dim3A_18 : vector<16xi32>
      %parallel_loop3A_138 = tpu.bitcast %parallel_loop3A_137 : vector<16xi32> -> vector<16xf32>
      %parallel_loop3A_139 = arith.constant 1 : i32
      %parallel_loop3A_140 = vector.broadcast %parallel_loop3A_139 : i32 to vector<16xi32>
      %parallel_loop3A_141 = arith.cmpi eq, %iota3A, %parallel_loop3A_140 : vector<16xi32>
      %parallel_loop3A_142 = arith.select %parallel_loop3A_141, %parallel_loop3A_134, %broadcast_in_dim3A_5 : vector<16xi1>, vector<16xf32>
      %parallel_loop3A_143 = arith.constant true
      %parallel_loop3A_144 = vector.broadcast %parallel_loop3A_143 : i1 to vector<16xi1>
      %parallel_loop3A_145 = tpu.scan <sum>, %parallel_loop3A_142 masked %parallel_loop3A_144 : vector<16xf32>, vector<16xi1> -> vector<16xf32>
      %parallel_loop3A_146 = vector.extract %parallel_loop3A_145[15] : f32 from vector<16xf32>
      %parallel_loop3A_147 = vector.broadcast %parallel_loop3A_146 : f32 to vector<16xf32>
      %parallel_loop3A_148 = arith.cmpf oge, %parallel_loop3A_68, %parallel_loop3A_147 : vector<16xf32>
      %parallel_loop3A_149 = arith.select %lt3A_14, %parallel_loop3A_138, %broadcast_in_dim3A_5 : vector<16xi1>, vector<16xf32>
      %parallel_loop3A_150 = arith.constant true
      %parallel_loop3A_151 = vector.broadcast %parallel_loop3A_150 : i1 to vector<16xi1>
      %parallel_loop3A_152 = tpu.scan <sum>, %parallel_loop3A_149 masked %parallel_loop3A_151 : vector<16xf32>, vector<16xi1> -> vector<16xf32>
      %parallel_loop3A_153 = vector.extract %parallel_loop3A_152[15] : f32 from vector<16xf32>
      %parallel_loop3A_154 = arith.constant 0.000000e+00 : f32
      %parallel_loop3A_155 = arith.addf %parallel_loop3A_154, %parallel_loop3A_153 : f32
      %parallel_loop3A_156 = arith.mulf %parallel_loop3A_73, %parallel_loop3A_123 : vector<16xf32>
      %parallel_loop3A_157 = arith.constant 16 : i32
      %parallel_loop3A_158 = arith.addi %parallel_loop3A_50, %parallel_loop3A_157 : i32
      %parallel_loop3A_159 = arith.index_cast %parallel_loop3A_158 : i32 to index
      %parallel_loop3A_160 = tpu.vector_load %arg8[%parallel_loop3A_159] {strides = array<i32>} : memref<16384xf32, #tpu.memory_space<vmem>>, vector<16xf32>,
      tpu.vector_store %arg8[%parallel_loop3A_159], %parallel_loop3A_156 {strides = array<i32>} : memref<16384xf32, #tpu.memory_space<vmem>>, vector<16xf32>,
      %parallel_loop3A_161 = arith.constant 16 : i32
      %parallel_loop3A_162 = vector.broadcast %parallel_loop3A_161 : i32 to vector<16xi32>
      %parallel_loop3A_163 = arith.addi %iota3A, %parallel_loop3A_162 : vector<16xi32>
      %parallel_loop3A_164 = arith.constant dense<true> : vector<16xi1>
      %parallel_loop3A_165, %parallel_loop3A_166, %parallel_loop3A_167 = tpu.sort %parallel_loop3A_85, %parallel_loop3A_163 masked %parallel_loop3A_164 {descending = true} : (vector<16xf32>, vector<16xi32>, vector<16xi1>) -> (vector<16xi1>, vector<16xf32>, vector<16xi32>)
      %parallel_loop3A_168 = tpu.bitcast %parallel_loop3A_166 : vector<16xf32> -> vector<16xi32>
      %parallel_loop3A_169 = arith.andi %parallel_loop3A_168, %broadcast_in_dim3A_18 : vector<16xi32>
      %parallel_loop3A_170 = tpu.bitcast %parallel_loop3A_169 : vector<16xi32> -> vector<16xf32>
      %parallel_loop3A_171 = arith.constant 1 : i32
      %parallel_loop3A_172 = vector.broadcast %parallel_loop3A_171 : i32 to vector<16xi32>
      %parallel_loop3A_173 = arith.cmpi eq, %iota3A, %parallel_loop3A_172 : vector<16xi32>
      %parallel_loop3A_174 = arith.select %parallel_loop3A_173, %parallel_loop3A_166, %broadcast_in_dim3A_5 : vector<16xi1>, vector<16xf32>
      %parallel_loop3A_175 = arith.constant true
      %parallel_loop3A_176 = vector.broadcast %parallel_loop3A_175 : i1 to vector<16xi1>
      %parallel_loop3A_177 = tpu.scan <sum>, %parallel_loop3A_174 masked %parallel_loop3A_176 : vector<16xf32>, vector<16xi1> -> vector<16xf32>
      %parallel_loop3A_178 = vector.extract %parallel_loop3A_177[15] : f32 from vector<16xf32>
      %parallel_loop3A_179 = vector.broadcast %parallel_loop3A_178 : f32 to vector<16xf32>
      %parallel_loop3A_180 = arith.cmpf oge, %parallel_loop3A_85, %parallel_loop3A_179 : vector<16xf32>
      %parallel_loop3A_181 = arith.select %lt3A_14, %parallel_loop3A_170, %broadcast_in_dim3A_5 : vector<16xi1>, vector<16xf32>
      %parallel_loop3A_182 = arith.constant true
      %parallel_loop3A_183 = vector.broadcast %parallel_loop3A_182 : i1 to vector<16xi1>
      %parallel_loop3A_184 = tpu.scan <sum>, %parallel_loop3A_181 masked %parallel_loop3A_183 : vector<16xf32>, vector<16xi1> -> vector<16xf32>
      %parallel_loop3A_185 = vector.extract %parallel_loop3A_184[15] : f32 from vector<16xf32>
      %parallel_loop3A_186 = arith.addf %parallel_loop3A_155, %parallel_loop3A_185 : f32
      %parallel_loop3A_187 = arith.mulf %parallel_loop3A_90, %parallel_loop3A_123 : vector<16xf32>
      %parallel_loop3A_188 = arith.constant 32 : i32
      %parallel_loop3A_189 = arith.addi %parallel_loop3A_50, %parallel_loop3A_188 : i32
      %parallel_loop3A_190 = arith.index_cast %parallel_loop3A_189 : i32 to index
      %parallel_loop3A_191 = tpu.vector_load %arg8[%parallel_loop3A_190] {strides = array<i32>} : memref<16384xf32, #tpu.memory_space<vmem>>, vector<16xf32>,
      tpu.vector_store %arg8[%parallel_loop3A_190], %parallel_loop3A_187 {strides = array<i32>} : memref<16384xf32, #tpu.memory_space<vmem>>, vector<16xf32>,
      %parallel_loop3A_192 = arith.constant 32 : i32
      %parallel_loop3A_193 = vector.broadcast %parallel_loop3A_192 : i32 to vector<16xi32>
      %parallel_loop3A_194 = arith.addi %iota3A, %parallel_loop3A_193 : vector<16xi32>
      %parallel_loop3A_195 = arith.constant dense<true> : vector<16xi1>
      %parallel_loop3A_196, %parallel_loop3A_197, %parallel_loop3A_198 = tpu.sort %parallel_loop3A_102, %parallel_loop3A_194 masked %parallel_loop3A_195 {descending = true} : (vector<16xf32>, vector<16xi32>, vector<16xi1>) -> (vector<16xi1>, vector<16xf32>, vector<16xi32>)
      %parallel_loop3A_199 = tpu.bitcast %parallel_loop3A_197 : vector<16xf32> -> vector<16xi32>
      %parallel_loop3A_200 = arith.andi %parallel_loop3A_199, %broadcast_in_dim3A_18 : vector<16xi32>
      %parallel_loop3A_201 = tpu.bitcast %parallel_loop3A_200 : vector<16xi32> -> vector<16xf32>
      %parallel_loop3A_202 = arith.constant 1 : i32
      %parallel_loop3A_203 = vector.broadcast %parallel_loop3A_202 : i32 to vector<16xi32>
      %parallel_loop3A_204 = arith.cmpi eq, %iota3A, %parallel_loop3A_203 : vector<16xi32>
      %parallel_loop3A_205 = arith.select %parallel_loop3A_204, %parallel_loop3A_197, %broadcast_in_dim3A_5 : vector<16xi1>, vector<16xf32>
      %parallel_loop3A_206 = arith.constant true
      %parallel_loop3A_207 = vector.broadcast %parallel_loop3A_206 : i1 to vector<16xi1>
      %parallel_loop3A_208 = tpu.scan <sum>, %parallel_loop3A_205 masked %parallel_loop3A_207 : vector<16xf32>, vector<16xi1> -> vector<16xf32>
      %parallel_loop3A_209 = vector.extract %parallel_loop3A_208[15] : f32 from vector<16xf32>
      %parallel_loop3A_210 = vector.broadcast %parallel_loop3A_209 : f32 to vector<16xf32>
      %parallel_loop3A_211 = arith.cmpf oge, %parallel_loop3A_102, %parallel_loop3A_210 : vector<16xf32>
      %parallel_loop3A_212 = arith.select %lt3A_14, %parallel_loop3A_201, %broadcast_in_dim3A_5 : vector<16xi1>, vector<16xf32>
      %parallel_loop3A_213 = arith.constant true
      %parallel_loop3A_214 = vector.broadcast %parallel_loop3A_213 : i1 to vector<16xi1>
      %parallel_loop3A_215 = tpu.scan <sum>, %parallel_loop3A_212 masked %parallel_loop3A_214 : vector<16xf32>, vector<16xi1> -> vector<16xf32>
      %parallel_loop3A_216 = vector.extract %parallel_loop3A_215[15] : f32 from vector<16xf32>
      %parallel_loop3A_217 = arith.addf %parallel_loop3A_186, %parallel_loop3A_216 : f32
      %parallel_loop3A_218 = arith.mulf %parallel_loop3A_107, %parallel_loop3A_123 : vector<16xf32>
      %parallel_loop3A_219 = arith.constant 48 : i32
      %parallel_loop3A_220 = arith.addi %parallel_loop3A_50, %parallel_loop3A_219 : i32
      %parallel_loop3A_221 = arith.index_cast %parallel_loop3A_220 : i32 to index
      %parallel_loop3A_222 = tpu.vector_load %arg8[%parallel_loop3A_221] {strides = array<i32>} : memref<16384xf32, #tpu.memory_space<vmem>>, vector<16xf32>,
      tpu.vector_store %arg8[%parallel_loop3A_221], %parallel_loop3A_218 {strides = array<i32>} : memref<16384xf32, #tpu.memory_space<vmem>>, vector<16xf32>,
      %parallel_loop3A_223 = arith.constant 48 : i32
      %parallel_loop3A_224 = vector.broadcast %parallel_loop3A_223 : i32 to vector<16xi32>
      %parallel_loop3A_225 = arith.addi %iota3A, %parallel_loop3A_224 : vector<16xi32>
      %parallel_loop3A_226 = arith.constant dense<true> : vector<16xi1>
      %parallel_loop3A_227, %parallel_loop3A_228, %parallel_loop3A_229 = tpu.sort %parallel_loop3A_119, %parallel_loop3A_225 masked %parallel_loop3A_226 {descending = true} : (vector<16xf32>, vector<16xi32>, vector<16xi1>) -> (vector<16xi1>, vector<16xf32>, vector<16xi32>)
      %parallel_loop3A_230 = tpu.bitcast %parallel_loop3A_228 : vector<16xf32> -> vector<16xi32>
      %parallel_loop3A_231 = arith.andi %parallel_loop3A_230, %broadcast_in_dim3A_18 : vector<16xi32>
      %parallel_loop3A_232 = tpu.bitcast %parallel_loop3A_231 : vector<16xi32> -> vector<16xf32>
      %parallel_loop3A_233 = arith.constant 1 : i32
      %parallel_loop3A_234 = vector.broadcast %parallel_loop3A_233 : i32 to vector<16xi32>
      %parallel_loop3A_235 = arith.cmpi eq, %iota3A, %parallel_loop3A_234 : vector<16xi32>
      %parallel_loop3A_236 = arith.select %parallel_loop3A_235, %parallel_loop3A_228, %broadcast_in_dim3A_5 : vector<16xi1>, vector<16xf32>
      %parallel_loop3A_237 = arith.constant true
      %parallel_loop3A_238 = vector.broadcast %parallel_loop3A_237 : i1 to vector<16xi1>
      %parallel_loop3A_239 = tpu.scan <sum>, %parallel_loop3A_236 masked %parallel_loop3A_238 : vector<16xf32>, vector<16xi1> -> vector<16xf32>
      %parallel_loop3A_240 = vector.extract %parallel_loop3A_239[15] : f32 from vector<16xf32>
      %parallel_loop3A_241 = vector.broadcast %parallel_loop3A_240 : f32 to vector<16xf32>
      %parallel_loop3A_242 = arith.cmpf oge, %parallel_loop3A_119, %parallel_loop3A_241 : vector<16xf32>
      %parallel_loop3A_243 = arith.select %lt3A_14, %parallel_loop3A_232, %broadcast_in_dim3A_5 : vector<16xi1>, vector<16xf32>
      %parallel_loop3A_244 = arith.constant true
      %parallel_loop3A_245 = vector.broadcast %parallel_loop3A_244 : i1 to vector<16xi1>
      %parallel_loop3A_246 = tpu.scan <sum>, %parallel_loop3A_243 masked %parallel_loop3A_245 : vector<16xf32>, vector<16xi1> -> vector<16xf32>
      %parallel_loop3A_247 = vector.extract %parallel_loop3A_246[15] : f32 from vector<16xf32>
      %parallel_loop3A_248 = arith.addf %parallel_loop3A_217, %parallel_loop3A_247 : f32
      %parallel_loop3A_249 = arith.constant 1.000000e+00 : f32
      %parallel_loop3A_250 = vector.broadcast %parallel_loop3A_249 : f32 to vector<16xf32>
      %parallel_loop3A_251 = vector.broadcast %parallel_loop3A_248 : f32 to vector<16xf32>
      %parallel_loop3A_252 = arith.divf %parallel_loop3A_250, %parallel_loop3A_251 : vector<16xf32>
      %parallel_loop3A_253 = arith.constant 8 : i32
      %parallel_loop3A_254 = arith.muli %parallel_loop3A_44, %parallel_loop3A_253 : i32
      %parallel_loop3A_255 = arith.constant 0 : i32
      %parallel_loop3A_256 = arith.addi %parallel_loop3A_254, %parallel_loop3A_255 : i32
      %parallel_loop3A_257 = vector.broadcast %parallel_loop3A_256 : i32 to vector<16xi32>
      %parallel_loop3A_258 = arith.addi %parallel_loop3A_257, %iota3A : vector<16xi32>
      %parallel_loop3A_259 = arith.mulf %parallel_loop3A_138, %parallel_loop3A_252 : vector<16xf32>
      tpu.vector_store_idx %arg9[%parallel_loop3A_258], %parallel_loop3A_259 masked %lt3A_14 : memref<2048xf32, #tpu.memory_space<vmem>>[vector<16xi32>], vector<16xf32>, vector<16xi1>
      tpu.vector_store_idx %arg10[%parallel_loop3A_258], %parallel_loop3A_135 masked %lt3A_14 : memref<2048xi32, #tpu.memory_space<vmem>>[vector<16xi32>], vector<16xi32>, vector<16xi1>
      %parallel_loop3A_260 = arith.constant 1.000000e+00 : f32
      %parallel_loop3A_261 = arith.constant 0.000000e+00 : f32
      %parallel_loop3A_262 = vector.broadcast %parallel_loop3A_260 : f32 to vector<16xf32>
      %parallel_loop3A_263 = vector.broadcast %parallel_loop3A_261 : f32 to vector<16xf32>
      %parallel_loop3A_264 = arith.select %parallel_loop3A_148, %parallel_loop3A_262, %parallel_loop3A_263 : vector<16xi1>, vector<16xf32>
      %parallel_loop3A_265 = arith.addf %parallel_loop3A_45, %parallel_loop3A_264 : vector<16xf32>
      %parallel_loop3A_266 = arith.constant 2 : i32
      %parallel_loop3A_267 = arith.addi %parallel_loop3A_254, %parallel_loop3A_266 : i32
      %parallel_loop3A_268 = vector.broadcast %parallel_loop3A_267 : i32 to vector<16xi32>
      %parallel_loop3A_269 = arith.addi %parallel_loop3A_268, %iota3A : vector<16xi32>
      %parallel_loop3A_270 = arith.mulf %parallel_loop3A_170, %parallel_loop3A_252 : vector<16xf32>
      tpu.vector_store_idx %arg9[%parallel_loop3A_269], %parallel_loop3A_270 masked %lt3A_14 : memref<2048xf32, #tpu.memory_space<vmem>>[vector<16xi32>], vector<16xf32>, vector<16xi1>
      tpu.vector_store_idx %arg10[%parallel_loop3A_269], %parallel_loop3A_167 masked %lt3A_14 : memref<2048xi32, #tpu.memory_space<vmem>>[vector<16xi32>], vector<16xi32>, vector<16xi1>
      %parallel_loop3A_271 = arith.constant 1.000000e+00 : f32
      %parallel_loop3A_272 = arith.constant 0.000000e+00 : f32
      %parallel_loop3A_273 = vector.broadcast %parallel_loop3A_271 : f32 to vector<16xf32>
      %parallel_loop3A_274 = vector.broadcast %parallel_loop3A_272 : f32 to vector<16xf32>
      %parallel_loop3A_275 = arith.select %parallel_loop3A_180, %parallel_loop3A_273, %parallel_loop3A_274 : vector<16xi1>, vector<16xf32>
      %parallel_loop3A_276 = arith.addf %parallel_loop3A_46, %parallel_loop3A_275 : vector<16xf32>
      %parallel_loop3A_277 = arith.constant 4 : i32
      %parallel_loop3A_278 = arith.addi %parallel_loop3A_254, %parallel_loop3A_277 : i32
      %parallel_loop3A_279 = vector.broadcast %parallel_loop3A_278 : i32 to vector<16xi32>
      %parallel_loop3A_280 = arith.addi %parallel_loop3A_279, %iota3A : vector<16xi32>
      %parallel_loop3A_281 = arith.mulf %parallel_loop3A_201, %parallel_loop3A_252 : vector<16xf32>
      tpu.vector_store_idx %arg9[%parallel_loop3A_280], %parallel_loop3A_281 masked %lt3A_14 : memref<2048xf32, #tpu.memory_space<vmem>>[vector<16xi32>], vector<16xf32>, vector<16xi1>
      tpu.vector_store_idx %arg10[%parallel_loop3A_280], %parallel_loop3A_198 masked %lt3A_14 : memref<2048xi32, #tpu.memory_space<vmem>>[vector<16xi32>], vector<16xi32>, vector<16xi1>
      %parallel_loop3A_282 = arith.constant 1.000000e+00 : f32
      %parallel_loop3A_283 = arith.constant 0.000000e+00 : f32
      %parallel_loop3A_284 = vector.broadcast %parallel_loop3A_282 : f32 to vector<16xf32>
      %parallel_loop3A_285 = vector.broadcast %parallel_loop3A_283 : f32 to vector<16xf32>
      %parallel_loop3A_286 = arith.select %parallel_loop3A_211, %parallel_loop3A_284, %parallel_loop3A_285 : vector<16xi1>, vector<16xf32>
      %parallel_loop3A_287 = arith.addf %parallel_loop3A_47, %parallel_loop3A_286 : vector<16xf32>
      %parallel_loop3A_288 = arith.constant 6 : i32
      %parallel_loop3A_289 = arith.addi %parallel_loop3A_254, %parallel_loop3A_288 : i32
      %parallel_loop3A_290 = vector.broadcast %parallel_loop3A_289 : i32 to vector<16xi32>
      %parallel_loop3A_291 = arith.addi %parallel_loop3A_290, %iota3A : vector<16xi32>
      %parallel_loop3A_292 = arith.mulf %parallel_loop3A_232, %parallel_loop3A_252 : vector<16xf32>
      tpu.vector_store_idx %arg9[%parallel_loop3A_291], %parallel_loop3A_292 masked %lt3A_14 : memref<2048xf32, #tpu.memory_space<vmem>>[vector<16xi32>], vector<16xf32>, vector<16xi1>
      tpu.vector_store_idx %arg10[%parallel_loop3A_291], %parallel_loop3A_229 masked %lt3A_14 : memref<2048xi32, #tpu.memory_space<vmem>>[vector<16xi32>], vector<16xi32>, vector<16xi1>
      %parallel_loop3A_293 = arith.constant 1.000000e+00 : f32
      %parallel_loop3A_294 = arith.constant 0.000000e+00 : f32
      %parallel_loop3A_295 = vector.broadcast %parallel_loop3A_293 : f32 to vector<16xf32>
      %parallel_loop3A_296 = vector.broadcast %parallel_loop3A_294 : f32 to vector<16xf32>
      %parallel_loop3A_297 = arith.select %parallel_loop3A_242, %parallel_loop3A_295, %parallel_loop3A_296 : vector<16xi1>, vector<16xf32>
      %parallel_loop3A_298 = arith.addf %parallel_loop3A_48, %parallel_loop3A_297 : vector<16xf32>
      scf.yield %parallel_loop3A_265, %parallel_loop3A_276, %parallel_loop3A_287, %parallel_loop3A_298 : vector<16xf32>, vector<16xf32>, vector<16xf32>, vector<16xf32>
    } {sc.loop_unroll_factor = 2 : i64, sc.parallel_access}
    %swap3A_22 = arith.constant 0 : index
    %swap3A_23 = tpu.vector_load %arg11[%swap3A_22] {strides = array<i32>} : memref<64xf32, #tpu.memory_space<vmem>>, vector<16xf32>,
    tpu.vector_store %arg11[%swap3A_22], %parallel_loop3A_21#0 {strides = array<i32>} : memref<64xf32, #tpu.memory_space<vmem>>, vector<16xf32>,
    %swap3A_24 = arith.constant 16 : index
    %swap3A_25 = tpu.vector_load %arg11[%swap3A_24] {strides = array<i32>} : memref<64xf32, #tpu.memory_space<vmem>>, vector<16xf32>,
    tpu.vector_store %arg11[%swap3A_24], %parallel_loop3A_21#1 {strides = array<i32>} : memref<64xf32, #tpu.memory_space<vmem>>, vector<16xf32>,
    %swap3A_26 = arith.constant 32 : index
    %swap3A_27 = tpu.vector_load %arg11[%swap3A_26] {strides = array<i32>} : memref<64xf32, #tpu.memory_space<vmem>>, vector<16xf32>,
    tpu.vector_store %arg11[%swap3A_26], %parallel_loop3A_21#2 {strides = array<i32>} : memref<64xf32, #tpu.memory_space<vmem>>, vector<16xf32>,
    %swap3A_28 = arith.constant 48 : index
    %swap3A_29 = tpu.vector_load %arg11[%swap3A_28] {strides = array<i32>} : memref<64xf32, #tpu.memory_space<vmem>>, vector<16xf32>,
    tpu.vector_store %arg11[%swap3A_28], %parallel_loop3A_21#3 {strides = array<i32>} : memref<64xf32, #tpu.memory_space<vmem>>, vector<16xf32>,
    %mul3A_30 = arith.constant 256 : i32
    %mul3A_31 = arith.muli %add3A, %mul3A_30 : i32
    %mul3A_32 = arith.constant 64 : i32
    %mul3A_33 = arith.muli %mul3A_31, %mul3A_32 : i32
    "tpu.region"() ({
      %run_scoped3A = tpu.sem_alloc : memref<!tpu.dma_semaphore, #tpu.memory_space<semaphore_mem>>
      %dma_start3A = tpu.memref_slice %arg3[%mul3A_33] : memref<524288xf32, #tpu.memory_space<hbm>> -> memref<16384xf32, #tpu.memory_space<hbm>>
      %dma_start3A_44 = tpu.memref_slice %arg3[%mul3A_33] : memref<524288xf32, #tpu.memory_space<hbm>> -> memref<16384xf32, #tpu.memory_space<hbm>>
      tpu.enqueue_dma source(%arg8 : memref<16384xf32, #tpu.memory_space<vmem>>) target(%dma_start3A_44 : memref<16384xf32, #tpu.memory_space<hbm>>) target_semaphore(%run_scoped3A : memref<!tpu.dma_semaphore, #tpu.memory_space<semaphore_mem>>)
      %dma_wait3A = tpu.memref_slice %arg3[%mul3A_33] : memref<524288xf32, #tpu.memory_space<hbm>> -> memref<16384xf32, #tpu.memory_space<hbm>>
      %dma_wait3A_45 = tpu.memref_slice %arg3[%mul3A_33] : memref<524288xf32, #tpu.memory_space<hbm>> -> memref<16384xf32, #tpu.memory_space<hbm>>
      tpu.wait_dma2 semaphore(%run_scoped3A : memref<!tpu.dma_semaphore, #tpu.memory_space<semaphore_mem>>) src(%arg8 : memref<16384xf32, #tpu.memory_space<vmem>>) dst(%dma_wait3A_45 : memref<16384xf32, #tpu.memory_space<hbm>>)
      tpu.yield
    }) : () -> ()
    %mul3A_34 = arith.constant 256 : i32
    %mul3A_35 = arith.muli %add3A, %mul3A_34 : i32
    %mul3A_36 = arith.constant 8 : i32
    %mul3A_37 = arith.muli %mul3A_35, %mul3A_36 : i32
    "tpu.region"() ({
      %run_scoped3A = tpu.sem_alloc : memref<!tpu.dma_semaphore, #tpu.memory_space<semaphore_mem>>
      %dma_start3A = tpu.memref_slice %arg4[%mul3A_37] : memref<65536xf32, #tpu.memory_space<hbm>> -> memref<2048xf32, #tpu.memory_space<hbm>>
      %dma_start3A_44 = tpu.memref_slice %arg4[%mul3A_37] : memref<65536xf32, #tpu.memory_space<hbm>> -> memref<2048xf32, #tpu.memory_space<hbm>>
      tpu.enqueue_dma source(%arg9 : memref<2048xf32, #tpu.memory_space<vmem>>) target(%dma_start3A_44 : memref<2048xf32, #tpu.memory_space<hbm>>) target_semaphore(%run_scoped3A : memref<!tpu.dma_semaphore, #tpu.memory_space<semaphore_mem>>)
      %dma_wait3A = tpu.memref_slice %arg4[%mul3A_37] : memref<65536xf32, #tpu.memory_space<hbm>> -> memref<2048xf32, #tpu.memory_space<hbm>>
      %dma_wait3A_45 = tpu.memref_slice %arg4[%mul3A_37] : memref<65536xf32, #tpu.memory_space<hbm>> -> memref<2048xf32, #tpu.memory_space<hbm>>
      tpu.wait_dma2 semaphore(%run_scoped3A : memref<!tpu.dma_semaphore, #tpu.memory_space<semaphore_mem>>) src(%arg9 : memref<2048xf32, #tpu.memory_space<vmem>>) dst(%dma_wait3A_45 : memref<2048xf32, #tpu.memory_space<hbm>>)
      tpu.yield
    }) : () -> ()
    %mul3A_38 = arith.constant 256 : i32
    %mul3A_39 = arith.muli %add3A, %mul3A_38 : i32
    %mul3A_40 = arith.constant 8 : i32
    %mul3A_41 = arith.muli %mul3A_39, %mul3A_40 : i32
    "tpu.region"() ({
      %run_scoped3A = tpu.sem_alloc : memref<!tpu.dma_semaphore, #tpu.memory_space<semaphore_mem>>
      %dma_start3A = tpu.memref_slice %arg5[%mul3A_41] : memref<65536xi32, #tpu.memory_space<hbm>> -> memref<2048xi32, #tpu.memory_space<hbm>>
      %dma_start3A_44 = tpu.memref_slice %arg5[%mul3A_41] : memref<65536xi32, #tpu.memory_space<hbm>> -> memref<2048xi32, #tpu.memory_space<hbm>>
      tpu.enqueue_dma source(%arg10 : memref<2048xi32, #tpu.memory_space<vmem>>) target(%dma_start3A_44 : memref<2048xi32, #tpu.memory_space<hbm>>) target_semaphore(%run_scoped3A : memref<!tpu.dma_semaphore, #tpu.memory_space<semaphore_mem>>)
      %dma_wait3A = tpu.memref_slice %arg5[%mul3A_41] : memref<65536xi32, #tpu.memory_space<hbm>> -> memref<2048xi32, #tpu.memory_space<hbm>>
      %dma_wait3A_45 = tpu.memref_slice %arg5[%mul3A_41] : memref<65536xi32, #tpu.memory_space<hbm>> -> memref<2048xi32, #tpu.memory_space<hbm>>
      tpu.wait_dma2 semaphore(%run_scoped3A : memref<!tpu.dma_semaphore, #tpu.memory_space<semaphore_mem>>) src(%arg10 : memref<2048xi32, #tpu.memory_space<vmem>>) dst(%dma_wait3A_45 : memref<2048xi32, #tpu.memory_space<hbm>>)
      tpu.yield
    }) : () -> ()
    %mul3A_42 = arith.constant 64 : i32
    %mul3A_43 = arith.muli %add3A, %mul3A_42 : i32
    "tpu.region"() ({
      %run_scoped3A = tpu.sem_alloc : memref<!tpu.dma_semaphore, #tpu.memory_space<semaphore_mem>>
      %dma_start3A = tpu.memref_slice %arg6[%mul3A_43] : memref<2048xf32, #tpu.memory_space<hbm>> -> memref<64xf32, #tpu.memory_space<hbm>>
      %dma_start3A_44 = tpu.memref_slice %arg6[%mul3A_43] : memref<2048xf32, #tpu.memory_space<hbm>> -> memref<64xf32, #tpu.memory_space<hbm>>
      tpu.enqueue_dma source(%arg11 : memref<64xf32, #tpu.memory_space<vmem>>) target(%dma_start3A_44 : memref<64xf32, #tpu.memory_space<hbm>>) target_semaphore(%run_scoped3A : memref<!tpu.dma_semaphore, #tpu.memory_space<semaphore_mem>>)
      %dma_wait3A = tpu.memref_slice %arg6[%mul3A_43] : memref<2048xf32, #tpu.memory_space<hbm>> -> memref<64xf32, #tpu.memory_space<hbm>>
      %dma_wait3A_45 = tpu.memref_slice %arg6[%mul3A_43] : memref<2048xf32, #tpu.memory_space<hbm>> -> memref<64xf32, #tpu.memory_space<hbm>>
      tpu.wait_dma2 semaphore(%run_scoped3A : memref<!tpu.dma_semaphore, #tpu.memory_space<semaphore_mem>>) src(%arg11 : memref<64xf32, #tpu.memory_space<vmem>>) dst(%dma_wait3A_45 : memref<64xf32, #tpu.memory_space<hbm>>)
      tpu.yield
    }) : () -> ()
    return
  }
}

module attributes {stable_mosaic.version = 14 : i64} {
  func.func @_router_body(%arg0: i32, %arg1: memref<512x64xf32, #tpu.memory_space<vmem>>, %arg2: memref<512x64xf32, #tpu.memory_space<vmem>>, %arg3: memref<128x128xf32, #tpu.memory_space<vmem>>, %arg4: memref<128x16xf32, #tpu.memory_space<vmem>>, %arg5: memref<128x16xf32, #tpu.memory_space<vmem>>, %arg6: memref<2x512x64xf32, #tpu.memory_space<vmem>>, %arg7: memref<2x512x8xf32, #tpu.memory_space<vmem>>, %arg8: memref<2x512x8xi32, #tpu.memory_space<vmem>>, %arg9: memref<1x64xf32, #tpu.memory_space<vmem>>, %arg10: memref<1x128xf32, #tpu.memory_space<vmem>>) attributes {dimension_semantics = [#tpu.dimension_semantics<arbitrary>], iteration_bounds = array<i64: 8>, scalar_prefetch = 0 : i64, scratch_operands = 1 : i64, tpu.core_type = #tpu.core_type<tc>, window_params = [{transform_indices = @transform_0, window_bounds = array<i64: 512, 64>}, {transform_indices = @transform_1, window_bounds = array<i64: 512, 64>}, {pipeline_mode = #tpu.pipeline_mode<synchronous>, transform_indices = @transform_2, window_bounds = array<i64: 128, 128>}, {pipeline_mode = #tpu.pipeline_mode<synchronous>, transform_indices = @transform_3, window_bounds = array<i64: 128, 16>}, {pipeline_mode = #tpu.pipeline_mode<synchronous>, transform_indices = @transform_4, window_bounds = array<i64: 128, 16>}, {transform_indices = @transform_5, window_bounds = array<i64: 2, 512, 64>}, {transform_indices = @transform_6, window_bounds = array<i64: 2, 512, 8>}, {transform_indices = @transform_7, window_bounds = array<i64: 2, 512, 8>}, {pipeline_mode = #tpu.pipeline_mode<synchronous>, transform_indices = @transform_8, window_bounds = array<i64: 1, 64>}]} {
    %get3A = arith.constant 0 : index
    %get3A_0 = arith.constant 0 : index
    %get3A_1 = vector.load %arg1[%get3A, %get3A_0] : memref<512x64xf32, #tpu.memory_space<vmem>>, vector<512x64xf32>
    %get3A_2 = arith.constant 0 : index
    %get3A_3 = arith.constant 0 : index
    %get3A_4 = vector.load %arg2[%get3A_2, %get3A_3] : memref<512x64xf32, #tpu.memory_space<vmem>>, vector<512x64xf32>
    %concatenate3A = tpu.concatenate %get3A_1, %get3A_4 in 1 : vector<512x64xf32>, vector<512x64xf32> -> vector<512x128xf32>
    %exp3A = math.exp %concatenate3A : vector<512x128xf32>
    %iota3A = tpu.iota {dimensions = array<i32: 1>} : vector<1x128xi32>
    %and3A = arith.constant 63 : i32
    %and3A_5 = vector.broadcast %and3A : i32 to vector<1x128xi32>
    %and3A_6 = arith.andi %iota3A, %and3A_5 : vector<1x128xi32>
    %sub3A = arith.constant 63 : i32
    %sub3A_7 = vector.broadcast %sub3A : i32 to vector<1x128xi32>
    %sub3A_8 = arith.subi %sub3A_7, %and3A_6 : vector<1x128xi32>
    %bitcast_convert_type3A = tpu.bitcast %exp3A : vector<512x128xf32> -> vector<512x128xi32>
    %and3A_9 = arith.constant -64 : i32
    %and3A_10 = vector.broadcast %and3A_9 : i32 to vector<512x128xi32>
    %and3A_11 = arith.andi %bitcast_convert_type3A, %and3A_10 : vector<512x128xi32>
    %or3A = vector.broadcast %sub3A_8 : vector<1x128xi32> to vector<512x128xi32>
    %or3A_12 = arith.ori %and3A_11, %or3A : vector<512x128xi32>
    %bitcast_convert_type3A_13 = tpu.bitcast %or3A_12 : vector<512x128xi32> -> vector<512x128xf32>
    %iota3A_14 = tpu.iota {dimensions = array<i32: 1>} : vector<512x128xi32>
    %xor3A = arith.constant 1 : i32
    %xor3A_15 = vector.broadcast %xor3A : i32 to vector<512x128xi32>
    %xor3A_16 = arith.xori %iota3A_14, %xor3A_15 : vector<512x128xi32>
    %lt3A = arith.constant 0 : i32
    %lt3A_17 = vector.broadcast %lt3A : i32 to vector<512x128xi32>
    %lt3A_18 = arith.cmpi slt, %xor3A_16, %lt3A_17 : vector<512x128xi32>
    %add3A = arith.constant 128 : i32
    %add3A_19 = vector.broadcast %add3A : i32 to vector<512x128xi32>
    %add3A_20 = arith.addi %xor3A_16, %add3A_19 : vector<512x128xi32>
    %select_n3A = arith.select %lt3A_18, %add3A_20, %xor3A_16 : vector<512x128xi1>, vector<512x128xi32>
    %reshape3A = vector.shape_cast %select_n3A : vector<512x128xi32> to vector<512x128x1xi32>
    %gather3A = vector.shape_cast %reshape3A : vector<512x128x1xi32> to vector<512x128xi32>
    %gather3A_21 = tpu.dynamic_gather %bitcast_convert_type3A_13[%gather3A] in [1] : vector<512x128xf32>, vector<512x128xi32> -> vector<512x128xf32>
    %max3A = arith.maximumf %bitcast_convert_type3A_13, %gather3A_21 : vector<512x128xf32>
    %iota3A_22 = tpu.iota {dimensions = array<i32: 1>} : vector<512x128xi32>
    %xor3A_23 = arith.constant 2 : i32
    %xor3A_24 = vector.broadcast %xor3A_23 : i32 to vector<512x128xi32>
    %xor3A_25 = arith.xori %iota3A_22, %xor3A_24 : vector<512x128xi32>
    %lt3A_26 = arith.constant 0 : i32
    %lt3A_27 = vector.broadcast %lt3A_26 : i32 to vector<512x128xi32>
    %lt3A_28 = arith.cmpi slt, %xor3A_25, %lt3A_27 : vector<512x128xi32>
    %add3A_29 = arith.constant 128 : i32
    %add3A_30 = vector.broadcast %add3A_29 : i32 to vector<512x128xi32>
    %add3A_31 = arith.addi %xor3A_25, %add3A_30 : vector<512x128xi32>
    %select_n3A_32 = arith.select %lt3A_28, %add3A_31, %xor3A_25 : vector<512x128xi1>, vector<512x128xi32>
    %reshape3A_33 = vector.shape_cast %select_n3A_32 : vector<512x128xi32> to vector<512x128x1xi32>
    %gather3A_34 = vector.shape_cast %reshape3A_33 : vector<512x128x1xi32> to vector<512x128xi32>
    %gather3A_35 = tpu.dynamic_gather %max3A[%gather3A_34] in [1] : vector<512x128xf32>, vector<512x128xi32> -> vector<512x128xf32>
    %max3A_36 = arith.maximumf %max3A, %gather3A_35 : vector<512x128xf32>
    %iota3A_37 = tpu.iota {dimensions = array<i32: 1>} : vector<512x128xi32>
    %xor3A_38 = arith.constant 4 : i32
    %xor3A_39 = vector.broadcast %xor3A_38 : i32 to vector<512x128xi32>
    %xor3A_40 = arith.xori %iota3A_37, %xor3A_39 : vector<512x128xi32>
    %lt3A_41 = arith.constant 0 : i32
    %lt3A_42 = vector.broadcast %lt3A_41 : i32 to vector<512x128xi32>
    %lt3A_43 = arith.cmpi slt, %xor3A_40, %lt3A_42 : vector<512x128xi32>
    %add3A_44 = arith.constant 128 : i32
    %add3A_45 = vector.broadcast %add3A_44 : i32 to vector<512x128xi32>
    %add3A_46 = arith.addi %xor3A_40, %add3A_45 : vector<512x128xi32>
    %select_n3A_47 = arith.select %lt3A_43, %add3A_46, %xor3A_40 : vector<512x128xi1>, vector<512x128xi32>
    %reshape3A_48 = vector.shape_cast %select_n3A_47 : vector<512x128xi32> to vector<512x128x1xi32>
    %gather3A_49 = vector.shape_cast %reshape3A_48 : vector<512x128x1xi32> to vector<512x128xi32>
    %gather3A_50 = tpu.dynamic_gather %max3A_36[%gather3A_49] in [1] : vector<512x128xf32>, vector<512x128xi32> -> vector<512x128xf32>
    %max3A_51 = arith.maximumf %max3A_36, %gather3A_50 : vector<512x128xf32>
    %iota3A_52 = tpu.iota {dimensions = array<i32: 1>} : vector<512x128xi32>
    %xor3A_53 = arith.constant 8 : i32
    %xor3A_54 = vector.broadcast %xor3A_53 : i32 to vector<512x128xi32>
    %xor3A_55 = arith.xori %iota3A_52, %xor3A_54 : vector<512x128xi32>
    %lt3A_56 = arith.constant 0 : i32
    %lt3A_57 = vector.broadcast %lt3A_56 : i32 to vector<512x128xi32>
    %lt3A_58 = arith.cmpi slt, %xor3A_55, %lt3A_57 : vector<512x128xi32>
    %add3A_59 = arith.constant 128 : i32
    %add3A_60 = vector.broadcast %add3A_59 : i32 to vector<512x128xi32>
    %add3A_61 = arith.addi %xor3A_55, %add3A_60 : vector<512x128xi32>
    %select_n3A_62 = arith.select %lt3A_58, %add3A_61, %xor3A_55 : vector<512x128xi1>, vector<512x128xi32>
    %reshape3A_63 = vector.shape_cast %select_n3A_62 : vector<512x128xi32> to vector<512x128x1xi32>
    %gather3A_64 = vector.shape_cast %reshape3A_63 : vector<512x128x1xi32> to vector<512x128xi32>
    %gather3A_65 = tpu.dynamic_gather %max3A_51[%gather3A_64] in [1] : vector<512x128xf32>, vector<512x128xi32> -> vector<512x128xf32>
    %max3A_66 = arith.maximumf %max3A_51, %gather3A_65 : vector<512x128xf32>
    %bitcast_convert_type3A_67 = tpu.bitcast %max3A_66 : vector<512x128xf32> -> vector<512x128xi32>
    %and3A_68 = arith.constant 63 : i32
    %and3A_69 = vector.broadcast %and3A_68 : i32 to vector<512x128xi32>
    %and3A_70 = arith.andi %bitcast_convert_type3A_67, %and3A_69 : vector<512x128xi32>
    %sub3A_71 = arith.constant 63 : i32
    %sub3A_72 = vector.broadcast %sub3A_71 : i32 to vector<512x128xi32>
    %sub3A_73 = arith.subi %sub3A_72, %and3A_70 : vector<512x128xi32>
    %and3A_74 = arith.constant -64 : i32
    %and3A_75 = vector.broadcast %and3A_74 : i32 to vector<512x128xi32>
    %and3A_76 = arith.andi %bitcast_convert_type3A_67, %and3A_75 : vector<512x128xi32>
    %bitcast_convert_type3A_77 = tpu.bitcast %and3A_76 : vector<512x128xi32> -> vector<512x128xf32>
    %eq3A = vector.broadcast %and3A_6 : vector<1x128xi32> to vector<512x128xi32>
    %eq3A_78 = arith.cmpi eq, %eq3A, %sub3A_73 : vector<512x128xi32>
    %jit3A = arith.constant 0.000000e+00 : f32
    %broadcast_in_dim3A = vector.broadcast %jit3A : f32 to vector<512x128xf32>
    %select_n3A_79 = arith.select %eq3A_78, %broadcast_in_dim3A, %bitcast_convert_type3A_13 : vector<512x128xi1>, vector<512x128xf32>
    %iota3A_80 = tpu.iota {dimensions = array<i32: 1>} : vector<512x128xi32>
    %xor3A_81 = arith.constant 1 : i32
    %xor3A_82 = vector.broadcast %xor3A_81 : i32 to vector<512x128xi32>
    %xor3A_83 = arith.xori %iota3A_80, %xor3A_82 : vector<512x128xi32>
    %lt3A_84 = arith.constant 0 : i32
    %lt3A_85 = vector.broadcast %lt3A_84 : i32 to vector<512x128xi32>
    %lt3A_86 = arith.cmpi slt, %xor3A_83, %lt3A_85 : vector<512x128xi32>
    %add3A_87 = arith.constant 128 : i32
    %add3A_88 = vector.broadcast %add3A_87 : i32 to vector<512x128xi32>
    %add3A_89 = arith.addi %xor3A_83, %add3A_88 : vector<512x128xi32>
    %select_n3A_90 = arith.select %lt3A_86, %add3A_89, %xor3A_83 : vector<512x128xi1>, vector<512x128xi32>
    %reshape3A_91 = vector.shape_cast %select_n3A_90 : vector<512x128xi32> to vector<512x128x1xi32>
    %gather3A_92 = vector.shape_cast %reshape3A_91 : vector<512x128x1xi32> to vector<512x128xi32>
    %gather3A_93 = tpu.dynamic_gather %select_n3A_79[%gather3A_92] in [1] : vector<512x128xf32>, vector<512x128xi32> -> vector<512x128xf32>
    %max3A_94 = arith.maximumf %select_n3A_79, %gather3A_93 : vector<512x128xf32>
    %iota3A_95 = tpu.iota {dimensions = array<i32: 1>} : vector<512x128xi32>
    %xor3A_96 = arith.constant 2 : i32
    %xor3A_97 = vector.broadcast %xor3A_96 : i32 to vector<512x128xi32>
    %xor3A_98 = arith.xori %iota3A_95, %xor3A_97 : vector<512x128xi32>
    %lt3A_99 = arith.constant 0 : i32
    %lt3A_100 = vector.broadcast %lt3A_99 : i32 to vector<512x128xi32>
    %lt3A_101 = arith.cmpi slt, %xor3A_98, %lt3A_100 : vector<512x128xi32>
    %add3A_102 = arith.constant 128 : i32
    %add3A_103 = vector.broadcast %add3A_102 : i32 to vector<512x128xi32>
    %add3A_104 = arith.addi %xor3A_98, %add3A_103 : vector<512x128xi32>
    %select_n3A_105 = arith.select %lt3A_101, %add3A_104, %xor3A_98 : vector<512x128xi1>, vector<512x128xi32>
    %reshape3A_106 = vector.shape_cast %select_n3A_105 : vector<512x128xi32> to vector<512x128x1xi32>
    %gather3A_107 = vector.shape_cast %reshape3A_106 : vector<512x128x1xi32> to vector<512x128xi32>
    %gather3A_108 = tpu.dynamic_gather %max3A_94[%gather3A_107] in [1] : vector<512x128xf32>, vector<512x128xi32> -> vector<512x128xf32>
    %max3A_109 = arith.maximumf %max3A_94, %gather3A_108 : vector<512x128xf32>
    %iota3A_110 = tpu.iota {dimensions = array<i32: 1>} : vector<512x128xi32>
    %xor3A_111 = arith.constant 4 : i32
    %xor3A_112 = vector.broadcast %xor3A_111 : i32 to vector<512x128xi32>
    %xor3A_113 = arith.xori %iota3A_110, %xor3A_112 : vector<512x128xi32>
    %lt3A_114 = arith.constant 0 : i32
    %lt3A_115 = vector.broadcast %lt3A_114 : i32 to vector<512x128xi32>
    %lt3A_116 = arith.cmpi slt, %xor3A_113, %lt3A_115 : vector<512x128xi32>
    %add3A_117 = arith.constant 128 : i32
    %add3A_118 = vector.broadcast %add3A_117 : i32 to vector<512x128xi32>
    %add3A_119 = arith.addi %xor3A_113, %add3A_118 : vector<512x128xi32>
    %select_n3A_120 = arith.select %lt3A_116, %add3A_119, %xor3A_113 : vector<512x128xi1>, vector<512x128xi32>
    %reshape3A_121 = vector.shape_cast %select_n3A_120 : vector<512x128xi32> to vector<512x128x1xi32>
    %gather3A_122 = vector.shape_cast %reshape3A_121 : vector<512x128x1xi32> to vector<512x128xi32>
    %gather3A_123 = tpu.dynamic_gather %max3A_109[%gather3A_122] in [1] : vector<512x128xf32>, vector<512x128xi32> -> vector<512x128xf32>
    %max3A_124 = arith.maximumf %max3A_109, %gather3A_123 : vector<512x128xf32>
    %iota3A_125 = tpu.iota {dimensions = array<i32: 1>} : vector<512x128xi32>
    %xor3A_126 = arith.constant 8 : i32
    %xor3A_127 = vector.broadcast %xor3A_126 : i32 to vector<512x128xi32>
    %xor3A_128 = arith.xori %iota3A_125, %xor3A_127 : vector<512x128xi32>
    %lt3A_129 = arith.constant 0 : i32
    %lt3A_130 = vector.broadcast %lt3A_129 : i32 to vector<512x128xi32>
    %lt3A_131 = arith.cmpi slt, %xor3A_128, %lt3A_130 : vector<512x128xi32>
    %add3A_132 = arith.constant 128 : i32
    %add3A_133 = vector.broadcast %add3A_132 : i32 to vector<512x128xi32>
    %add3A_134 = arith.addi %xor3A_128, %add3A_133 : vector<512x128xi32>
    %select_n3A_135 = arith.select %lt3A_131, %add3A_134, %xor3A_128 : vector<512x128xi1>, vector<512x128xi32>
    %reshape3A_136 = vector.shape_cast %select_n3A_135 : vector<512x128xi32> to vector<512x128x1xi32>
    %gather3A_137 = vector.shape_cast %reshape3A_136 : vector<512x128x1xi32> to vector<512x128xi32>
    %gather3A_138 = tpu.dynamic_gather %max3A_124[%gather3A_137] in [1] : vector<512x128xf32>, vector<512x128xi32> -> vector<512x128xf32>
    %max3A_139 = arith.maximumf %max3A_124, %gather3A_138 : vector<512x128xf32>
    %bitcast_convert_type3A_140 = tpu.bitcast %max3A_139 : vector<512x128xf32> -> vector<512x128xi32>
    %and3A_141 = arith.constant 63 : i32
    %and3A_142 = vector.broadcast %and3A_141 : i32 to vector<512x128xi32>
    %and3A_143 = arith.andi %bitcast_convert_type3A_140, %and3A_142 : vector<512x128xi32>
    %sub3A_144 = arith.constant 63 : i32
    %sub3A_145 = vector.broadcast %sub3A_144 : i32 to vector<512x128xi32>
    %sub3A_146 = arith.subi %sub3A_145, %and3A_143 : vector<512x128xi32>
    %and3A_147 = arith.constant -64 : i32
    %and3A_148 = vector.broadcast %and3A_147 : i32 to vector<512x128xi32>
    %and3A_149 = arith.andi %bitcast_convert_type3A_140, %and3A_148 : vector<512x128xi32>
    %bitcast_convert_type3A_150 = tpu.bitcast %and3A_149 : vector<512x128xi32> -> vector<512x128xf32>
    %eq3A_151 = vector.broadcast %and3A_6 : vector<1x128xi32> to vector<512x128xi32>
    %eq3A_152 = arith.cmpi eq, %eq3A_151, %sub3A_146 : vector<512x128xi32>
    %or3A_153 = arith.ori %eq3A_78, %eq3A_152 : vector<512x128xi1>
    %jit3A_154 = arith.constant 1.000000e+00 : f32
    %jit3A_155 = arith.constant 0.000000e+00 : f32
    %broadcast_in_dim3A_156 = vector.broadcast %jit3A_154 : f32 to vector<512x128xf32>
    %broadcast_in_dim3A_157 = vector.broadcast %jit3A_155 : f32 to vector<512x128xf32>
    %select_n3A_158 = arith.select %or3A_153, %broadcast_in_dim3A_156, %broadcast_in_dim3A_157 : vector<512x128xi1>, vector<512x128xf32>
    %get3A_159 = arith.constant 0 : index
    %get3A_160 = arith.constant 0 : index
    %get3A_161 = vector.load %arg3[%get3A_159, %get3A_160] : memref<128x128xf32, #tpu.memory_space<vmem>>, vector<128x128xf32>
    %dot_general3A = arith.constant dense<0.000000e+00> : vector<512x128xf32>
    %dot_general3A_162 = tpu.matmul %exp3A, %get3A_161, %dot_general3A {dimension_numbers = #tpu.dot_dimension_numbers<[1], [0], [0], [1], [0, 0, 1, 1], [], []>, transpose_lhs_hint = false} : vector<512x128xf32>, vector<128x128xf32>, vector<512x128xf32> -> vector<512x128xf32>
    %div3A = arith.divf %exp3A, %dot_general3A_162 : vector<512x128xf32>
    %slice3A = vector.extract_strided_slice %div3A {offsets = [0, 0], sizes = [512, 64], strides = [1, 1]} : vector<512x128xf32> to vector<512x64xf32>
    %swap3A = arith.constant 0 : index
    %swap3A_163 = arith.constant 0 : index
    %swap3A_164 = arith.constant 0 : index
    %swap3A_165 = vector.load %arg6[%swap3A, %swap3A_163, %swap3A_164] : memref<2x512x64xf32, #tpu.memory_space<vmem>>, vector<1x512x64xf32>
    %swap3A_166 = vector.shape_cast %swap3A_165 : vector<1x512x64xf32> to vector<512x64xf32>
    %swap3A_167 = vector.shape_cast %slice3A : vector<512x64xf32> to vector<1x512x64xf32>
    tpu.vector_store %arg6[%swap3A, %swap3A_163, %swap3A_164], %swap3A_167 {strides = array<i32>} : memref<2x512x64xf32, #tpu.memory_space<vmem>>, vector<1x512x64xf32>,
    %slice3A_168 = vector.extract_strided_slice %div3A {offsets = [0, 64], sizes = [512, 64], strides = [1, 1]} : vector<512x128xf32> to vector<512x64xf32>
    %swap3A_169 = arith.constant 1 : index
    %swap3A_170 = arith.constant 0 : index
    %swap3A_171 = arith.constant 0 : index
    %swap3A_172 = vector.load %arg6[%swap3A_169, %swap3A_170, %swap3A_171] : memref<2x512x64xf32, #tpu.memory_space<vmem>>, vector<1x512x64xf32>
    %swap3A_173 = vector.shape_cast %swap3A_172 : vector<1x512x64xf32> to vector<512x64xf32>
    %swap3A_174 = vector.shape_cast %slice3A_168 : vector<512x64xf32> to vector<1x512x64xf32>
    tpu.vector_store %arg6[%swap3A_169, %swap3A_170, %swap3A_171], %swap3A_174 {strides = array<i32>} : memref<2x512x64xf32, #tpu.memory_space<vmem>>, vector<1x512x64xf32>,
    %mul3A = arith.mulf %select_n3A_158, %exp3A : vector<512x128xf32>
    %dot_general3A_175 = arith.constant dense<0.000000e+00> : vector<512x128xf32>
    %dot_general3A_176 = tpu.matmul %mul3A, %get3A_161, %dot_general3A_175 {dimension_numbers = #tpu.dot_dimension_numbers<[1], [0], [0], [1], [0, 0, 1, 1], [], []>, transpose_lhs_hint = false} : vector<512x128xf32>, vector<128x128xf32>, vector<512x128xf32> -> vector<512x128xf32>
    %div3A_177 = arith.constant 1.000000e+00 : f32
    %div3A_178 = vector.broadcast %div3A_177 : f32 to vector<512x128xf32>
    %div3A_179 = arith.divf %div3A_178, %dot_general3A_176 : vector<512x128xf32>
    %get3A_180 = arith.constant 0 : index
    %get3A_181 = arith.constant 0 : index
    %get3A_182 = vector.load %arg4[%get3A_180, %get3A_181] : memref<128x16xf32, #tpu.memory_space<vmem>>, vector<128x16xf32>
    %get3A_183 = arith.constant 0 : index
    %get3A_184 = arith.constant 0 : index
    %get3A_185 = vector.load %arg5[%get3A_183, %get3A_184] : memref<128x16xf32, #tpu.memory_space<vmem>>, vector<128x16xf32>
    %mul3A_186 = arith.mulf %bitcast_convert_type3A_77, %div3A_179 : vector<512x128xf32>
    %dot_general3A_187 = arith.constant dense<0.000000e+00> : vector<512x16xf32>
    %dot_general3A_188 = tpu.matmul %mul3A_186, %get3A_182, %dot_general3A_187 {dimension_numbers = #tpu.dot_dimension_numbers<[1], [0], [0], [1], [0, 0, 1, 1], [], []>, transpose_lhs_hint = false} : vector<512x128xf32>, vector<128x16xf32>, vector<512x16xf32> -> vector<512x16xf32>
    %mul3A_189 = arith.mulf %bitcast_convert_type3A_150, %div3A_179 : vector<512x128xf32>
    %dot_general3A_190 = arith.constant dense<0.000000e+00> : vector<512x16xf32>
    %dot_general3A_191 = tpu.matmul %mul3A_189, %get3A_185, %dot_general3A_190 {dimension_numbers = #tpu.dot_dimension_numbers<[1], [0], [0], [1], [0, 0, 1, 1], [], []>, transpose_lhs_hint = false} : vector<512x128xf32>, vector<128x16xf32>, vector<512x16xf32> -> vector<512x16xf32>
    %add3A_192 = arith.addf %dot_general3A_188, %dot_general3A_191 : vector<512x16xf32>
    %slice3A_193 = vector.extract_strided_slice %add3A_192 {offsets = [0, 0], sizes = [512, 8], strides = [1, 1]} : vector<512x16xf32> to vector<512x8xf32>
    %swap3A_194 = arith.constant 0 : index
    %swap3A_195 = arith.constant 0 : index
    %swap3A_196 = arith.constant 0 : index
    %swap3A_197 = vector.load %arg7[%swap3A_194, %swap3A_195, %swap3A_196] : memref<2x512x8xf32, #tpu.memory_space<vmem>>, vector<1x512x8xf32>
    %swap3A_198 = vector.shape_cast %swap3A_197 : vector<1x512x8xf32> to vector<512x8xf32>
    %swap3A_199 = vector.shape_cast %slice3A_193 : vector<512x8xf32> to vector<1x512x8xf32>
    tpu.vector_store %arg7[%swap3A_194, %swap3A_195, %swap3A_196], %swap3A_199 {strides = array<i32>} : memref<2x512x8xf32, #tpu.memory_space<vmem>>, vector<1x512x8xf32>,
    %slice3A_200 = vector.extract_strided_slice %add3A_192 {offsets = [0, 8], sizes = [512, 8], strides = [1, 1]} : vector<512x16xf32> to vector<512x8xf32>
    %swap3A_201 = arith.constant 1 : index
    %swap3A_202 = arith.constant 0 : index
    %swap3A_203 = arith.constant 0 : index
    %swap3A_204 = vector.load %arg7[%swap3A_201, %swap3A_202, %swap3A_203] : memref<2x512x8xf32, #tpu.memory_space<vmem>>, vector<1x512x8xf32>
    %swap3A_205 = vector.shape_cast %swap3A_204 : vector<1x512x8xf32> to vector<512x8xf32>
    %swap3A_206 = vector.shape_cast %slice3A_200 : vector<512x8xf32> to vector<1x512x8xf32>
    tpu.vector_store %arg7[%swap3A_201, %swap3A_202, %swap3A_203], %swap3A_206 {strides = array<i32>} : memref<2x512x8xf32, #tpu.memory_space<vmem>>, vector<1x512x8xf32>,
    %convert_element_type3A = arith.sitofp %sub3A_73 : vector<512x128xi32> to vector<512x128xf32>
    %dot_general3A_207 = arith.constant dense<0.000000e+00> : vector<512x16xf32>
    %dot_general3A_208 = tpu.matmul %convert_element_type3A, %get3A_182, %dot_general3A_207 {dimension_numbers = #tpu.dot_dimension_numbers<[1], [0], [0], [1], [0, 0, 1, 1], [], []>, transpose_lhs_hint = false} : vector<512x128xf32>, vector<128x16xf32>, vector<512x16xf32> -> vector<512x16xf32>
    %convert_element_type3A_209 = arith.sitofp %sub3A_146 : vector<512x128xi32> to vector<512x128xf32>
    %dot_general3A_210 = arith.constant dense<0.000000e+00> : vector<512x16xf32>
    %dot_general3A_211 = tpu.matmul %convert_element_type3A_209, %get3A_185, %dot_general3A_210 {dimension_numbers = #tpu.dot_dimension_numbers<[1], [0], [0], [1], [0, 0, 1, 1], [], []>, transpose_lhs_hint = false} : vector<512x128xf32>, vector<128x16xf32>, vector<512x16xf32> -> vector<512x16xf32>
    %add3A_212 = arith.addf %dot_general3A_208, %dot_general3A_211 : vector<512x16xf32>
    %convert_element_type3A_213 = arith.fptosi %add3A_212 : vector<512x16xf32> to vector<512x16xi32>
    %slice3A_214 = vector.extract_strided_slice %convert_element_type3A_213 {offsets = [0, 0], sizes = [512, 8], strides = [1, 1]} : vector<512x16xi32> to vector<512x8xi32>
    %swap3A_215 = arith.constant 0 : index
    %swap3A_216 = arith.constant 0 : index
    %swap3A_217 = arith.constant 0 : index
    %swap3A_218 = vector.load %arg8[%swap3A_215, %swap3A_216, %swap3A_217] : memref<2x512x8xi32, #tpu.memory_space<vmem>>, vector<1x512x8xi32>
    %swap3A_219 = vector.shape_cast %swap3A_218 : vector<1x512x8xi32> to vector<512x8xi32>
    %swap3A_220 = vector.shape_cast %slice3A_214 : vector<512x8xi32> to vector<1x512x8xi32>
    tpu.vector_store %arg8[%swap3A_215, %swap3A_216, %swap3A_217], %swap3A_220 {strides = array<i32>} : memref<2x512x8xi32, #tpu.memory_space<vmem>>, vector<1x512x8xi32>,
    %slice3A_221 = vector.extract_strided_slice %convert_element_type3A_213 {offsets = [0, 8], sizes = [512, 8], strides = [1, 1]} : vector<512x16xi32> to vector<512x8xi32>
    %swap3A_222 = arith.constant 1 : index
    %swap3A_223 = arith.constant 0 : index
    %swap3A_224 = arith.constant 0 : index
    %swap3A_225 = vector.load %arg8[%swap3A_222, %swap3A_223, %swap3A_224] : memref<2x512x8xi32, #tpu.memory_space<vmem>>, vector<1x512x8xi32>
    %swap3A_226 = vector.shape_cast %swap3A_225 : vector<1x512x8xi32> to vector<512x8xi32>
    %swap3A_227 = vector.shape_cast %slice3A_221 : vector<512x8xi32> to vector<1x512x8xi32>
    tpu.vector_store %arg8[%swap3A_222, %swap3A_223, %swap3A_224], %swap3A_227 {strides = array<i32>} : memref<2x512x8xi32, #tpu.memory_space<vmem>>, vector<1x512x8xi32>,
    %eq3A_228 = arith.constant 0 : i32
    %eq3A_229 = arith.cmpi eq, %arg0, %eq3A_228 : i32
    %convert_element_type3A_230 = arith.extui %eq3A_229 : i1 to i32
    %cond3A = arith.constant 0 : i32
    %cond3A_231 = arith.cmpi ne, %convert_element_type3A_230, %cond3A : i32
    scf.if %cond3A_231 {
      %broadcast_in_dim3A_246 = arith.constant 0.000000e+00 : f32
      %broadcast_in_dim3A_247 = vector.broadcast %broadcast_in_dim3A_246 : f32 to vector<1x128xf32>
      %swap3A_248 = arith.constant 0 : index
      %swap3A_249 = arith.constant 0 : index
      %swap3A_250 = vector.load %arg10[%swap3A_248, %swap3A_249] : memref<1x128xf32, #tpu.memory_space<vmem>>, vector<1x128xf32>
      tpu.vector_store %arg10[%swap3A_248, %swap3A_249], %broadcast_in_dim3A_247 {strides = array<i32>} : memref<1x128xf32, #tpu.memory_space<vmem>>, vector<1x128xf32>,
    } else {
    }
    %get3A_232 = arith.constant 0 : index
    %get3A_233 = arith.constant 0 : index
    %get3A_234 = vector.load %arg10[%get3A_232, %get3A_233] : memref<1x128xf32, #tpu.memory_space<vmem>>, vector<1x128xf32>
    %reduce_sum3A = arith.constant dense<0.000000e+00> : vector<128xf32>
    %reduce_sum3A_235 = vector.multi_reduction <add>, %select_n3A_158, %reduce_sum3A [0] : vector<512x128xf32> to vector<128xf32>
    %broadcast_in_dim3A_236 = vector.shape_cast %reduce_sum3A_235 : vector<128xf32> to vector<1x128xf32>
    %add3A_237 = arith.addf %get3A_234, %broadcast_in_dim3A_236 : vector<1x128xf32>
    %swap3A_238 = arith.constant 0 : index
    %swap3A_239 = arith.constant 0 : index
    %swap3A_240 = vector.load %arg10[%swap3A_238, %swap3A_239] : memref<1x128xf32, #tpu.memory_space<vmem>>, vector<1x128xf32>
    tpu.vector_store %arg10[%swap3A_238, %swap3A_239], %add3A_237 {strides = array<i32>} : memref<1x128xf32, #tpu.memory_space<vmem>>, vector<1x128xf32>,
    %eq3A_241 = arith.constant 7 : i32
    %eq3A_242 = arith.cmpi eq, %arg0, %eq3A_241 : i32
    %convert_element_type3A_243 = arith.extui %eq3A_242 : i1 to i32
    %cond3A_244 = arith.constant 0 : i32
    %cond3A_245 = arith.cmpi ne, %convert_element_type3A_243, %cond3A_244 : i32
    scf.if %cond3A_245 {
      %get3A_246 = arith.constant 0 : index
      %get3A_247 = arith.constant 0 : index
      %get3A_248 = vector.load %arg10[%get3A_246, %get3A_247] : memref<1x128xf32, #tpu.memory_space<vmem>>, vector<1x128xf32>
      %slice3A_249 = vector.extract_strided_slice %get3A_248 {offsets = [0, 0], sizes = [1, 64], strides = [1, 1]} : vector<1x128xf32> to vector<1x64xf32>
      %slice3A_250 = vector.extract_strided_slice %get3A_248 {offsets = [0, 64], sizes = [1, 64], strides = [1, 1]} : vector<1x128xf32> to vector<1x64xf32>
      %add3A_251 = arith.addf %slice3A_249, %slice3A_250 : vector<1x64xf32>
      %swap3A_252 = arith.constant 0 : index
      %swap3A_253 = arith.constant 0 : index
      %swap3A_254 = vector.load %arg9[%swap3A_252, %swap3A_253] : memref<1x64xf32, #tpu.memory_space<vmem>>, vector<1x64xf32>
      tpu.vector_store %arg9[%swap3A_252, %swap3A_253], %add3A_251 {strides = array<i32>} : memref<1x64xf32, #tpu.memory_space<vmem>>, vector<1x64xf32>,
    } else {
    }
    return
  }
  func.func @transform_0(%arg0: i32) -> (i32, i32) {
    %add3A = arith.constant 16 : i32
    %add3A_0 = arith.addi %add3A, %arg0 : i32
    %c0_i32 = arith.constant 0 : i32
    %c0_i32_1 = arith.constant 0 : i32
    return %add3A_0, %c0_i32 : i32, i32
  }
  func.func @transform_1(%arg0: i32) -> (i32, i32) {
    %add3A = arith.constant 24 : i32
    %add3A_0 = arith.addi %add3A, %arg0 : i32
    %c0_i32 = arith.constant 0 : i32
    %c0_i32_1 = arith.constant 0 : i32
    return %add3A_0, %c0_i32 : i32, i32
  }
  func.func @transform_2(%arg0: i32) -> (i32, i32) {
    %c0_i32 = arith.constant 0 : i32
    %c0_i32_0 = arith.constant 0 : i32
    %c0_i32_1 = arith.constant 0 : i32
    return %c0_i32, %c0_i32_0 : i32, i32
  }
  func.func @transform_3(%arg0: i32) -> (i32, i32) {
    %c0_i32 = arith.constant 0 : i32
    %c0_i32_0 = arith.constant 0 : i32
    %c0_i32_1 = arith.constant 0 : i32
    return %c0_i32, %c0_i32_0 : i32, i32
  }
  func.func @transform_4(%arg0: i32) -> (i32, i32) {
    %c0_i32 = arith.constant 0 : i32
    %c0_i32_0 = arith.constant 0 : i32
    %c0_i32_1 = arith.constant 0 : i32
    return %c0_i32, %c0_i32_0 : i32, i32
  }
  func.func @transform_5(%arg0: i32) -> (i32, i32, i32) {
    %c0_i32 = arith.constant 0 : i32
    %c0_i32_0 = arith.constant 0 : i32
    %c0_i32_1 = arith.constant 0 : i32
    return %c0_i32, %arg0, %c0_i32_0 : i32, i32, i32
  }
  func.func @transform_6(%arg0: i32) -> (i32, i32, i32) {
    %c0_i32 = arith.constant 0 : i32
    %c0_i32_0 = arith.constant 0 : i32
    %c0_i32_1 = arith.constant 0 : i32
    return %c0_i32, %arg0, %c0_i32_0 : i32, i32, i32
  }
  func.func @transform_7(%arg0: i32) -> (i32, i32, i32) {
    %c0_i32 = arith.constant 0 : i32
    %c0_i32_0 = arith.constant 0 : i32
    %c0_i32_1 = arith.constant 0 : i32
    return %c0_i32, %arg0, %c0_i32_0 : i32, i32, i32
  }
  func.func @transform_8(%arg0: i32) -> (i32, i32) {
    %c0_i32 = arith.constant 0 : i32
    %c0_i32_0 = arith.constant 0 : i32
    %c0_i32_1 = arith.constant 0 : i32
    return %c0_i32, %c0_i32_0 : i32, i32
  }
}

module attributes {stable_mosaic.version = 14 : i64} {
  func.func @_hist_merge_body(%arg0: memref<32x64xf32, #tpu.memory_space<vmem>>, %arg1: memref<1x64xf32, #tpu.memory_space<vmem>>, %arg2: memref<1x64xf32, #tpu.memory_space<vmem>>) attributes {dimension_semantics = [], scalar_prefetch = 0 : i64, scratch_operands = 0 : i64, tpu.core_type = #tpu.core_type<tc>} {
    %get3A = arith.constant 0 : index
    %get3A_0 = arith.constant 0 : index
    %get3A_1 = vector.load %arg0[%get3A, %get3A_0] : memref<32x64xf32, #tpu.memory_space<vmem>>, vector<32x64xf32>
    %reduce_sum3A = arith.constant dense<0.000000e+00> : vector<64xf32>
    %reduce_sum3A_2 = vector.multi_reduction <add>, %get3A_1, %reduce_sum3A [0] : vector<32x64xf32> to vector<64xf32>
    %broadcast_in_dim3A = vector.shape_cast %reduce_sum3A_2 : vector<64xf32> to vector<1x64xf32>
    %get3A_3 = arith.constant 0 : index
    %get3A_4 = arith.constant 0 : index
    %get3A_5 = vector.load %arg1[%get3A_3, %get3A_4] : memref<1x64xf32, #tpu.memory_space<vmem>>, vector<1x64xf32>
    %add3A = arith.addf %broadcast_in_dim3A, %get3A_5 : vector<1x64xf32>
    %swap3A = arith.constant 0 : index
    %swap3A_6 = arith.constant 0 : index
    %swap3A_7 = vector.load %arg2[%swap3A, %swap3A_6] : memref<1x64xf32, #tpu.memory_space<vmem>>, vector<1x64xf32>
    tpu.vector_store %arg2[%swap3A, %swap3A_6], %add3A {strides = array<i32>} : memref<1x64xf32, #tpu.memory_space<vmem>>, vector<1x64xf32>,
    return
  }
}

</mosaic_0001>

<sc_bundles>
// kernel: kernel.5.cloned.1.call-start
scs
__scs_entry_jumppad:
0x0: {  	(pc) =	sbr.rel $0x88, $3  }
0x1: {  	(tag) =	ssettag $0x0;
	lr =	simm.s32 $0x1  }
0x2: {  	[smem:$0x3FA0] =	sst lr;
	_ =	strace $0xD0000000  }
0x3: {  	_ = 	snop  }
0x4: {  	_ = 	snop  }
0x5: {  	_ = 	snop  }
0x6: {  	_ = 	snop  }
0x7: {  	_ = 	snop  }
__scs_overlays_trampoline_lowered:
0x8: {  	[smem:$0x3FAF] =	sst s0  }
0x9: {  	[smem:$0x3FB0] =	sst s1  }
0xa: {  	[smem:$0x3FB1] =	sst s2  }
0xb: {  	[smem:$0x3FB2] =	sst s3  }
0xc: {  	[smem:$0x3FB3] =	sst s4  }
0xd: {  	[smem:$0x3FB4] =	sst s5  }
0xe: {  	[smem:$0x3FB5] =	sst s6  }
0xf: {  	[smem:$0x3FB6] =	sst s7  }
0x10: {  	[smem:$0x3FB7] =	sst s8  }
0x11: {  	[smem:$0x3FB8] =	sst s9;
	s0 =	simm.s32 @!p0 $0x0  }
0x12: {  	s1 =	sld [smem:$0x3F9E];
	s0 =	simm.s32 @p0 $0x1  }
0x13: {  	[smem:$0x3FB9] =	sst s0;
	s0 =	simm.s32 @!p1 $0x0  }
0x14: {  	s2 =	sld [smem:$0x3F9D];
	s0 =	simm.s32 @p1 $0x1  }
0x15: {  	[smem:$0x3FBA] =	sst s0;
	s0 =	simm.s32 @!p2 $0x0  }
0x16: {  	s3 =	sld [smem:$0x3FDB];
	s0 =	simm.s32 @p2 $0x1  }
0x17: {  	s4 =	simm.s32 $0x1BF5;
	[smem:$0x3FBC] =	sst s0  }
0x18: {  	s0 =	sld [smem:$0x3F9F];
	_ =	swait.ge [sflag:s4], $0x0  }
0x19: {  	s7 =	sld [smem:$0x3FA0]  }
0x1a: {  	s8 =	sadd.s32 $0xFFFFE003, lr  }
0x1b: {  	s9 =	sadd.s32 $0xFFFFFEF7, lr;
	s5 =	simm.s32 $0xFFFFFFFF;
	p2 =	slt.u32 s8, $0xFFFFF086  }
0x1c: {  	p1 =	slt.u32 s9, $0xF7A;
	s5 =	simm.s32 @!p2 $0x0  }
0x1d: {  	s5 =	simm.s32 @p1 $0x1;
	p0 =	seq.s32 s7, s2  }
0x1e: {  	s7 =	smul.u32 @!p0 $0xF7A, s2;
	p2 =	seq.s32 @!p0 s5, $0x0  }
0x1f: {  	s9 =	smul.u32 $0xF7A, s1;
	s8 =	simm.s32 @!p0 $0x1BF5;
	p2 =	por !p2, p0  }
0x20: {  	[sflag:s8] =	ssyncset.s32 @!p0 $0xFFFFF086;
	s6 =	sadd.s32 @!p0 s3, s7;
	s7 =	simm.s32 @!p0 $0x108  }
0x21: {  	s3 =	sadd.s32 s3, s9;
	s6 =	sadd.s32 @!p0 $0x88, s6;
	s7 =	simm.s32 @p2 $0x1082  }
0x22: {  	[simem:s7], [sflag:s8] =	dma.local @!p0 [hbm:s6], $0xF7A  }
0x23: {  	s9 =	sor.u32 $0xD0000000, s2;
	s6 =	simm.s32 $0x108;
	_ =	swait.ge @!p0 [sflag:s8], $0x0  }
0x24: {  	s3 =	sadd.s32 $0x88, s3;
	s6 =	simm.s32 @!p1 $0x1082;
	[sflag:s4] =	ssyncset.s32 $0xFFFFF086  }
0x25: {  	[simem:s6], [sflag:s4] =	dma.local [hbm:s3], $0xF7A  }
0x26: {  	[smem:$0x3FA0] =	sst s1;
	(tag) =	ssettag s2;
	_ =	strace s9  }
0x27: {  	s1 =	sld [smem:$0x3FB0]  }
0x28: {  	s2 =	sld [smem:$0x3FB1]  }
0x29: {  	s4 =	sld [smem:$0x3FB3]  }
0x2a: {  	p0 =	seq.s32 s5, $0x0;
	s5 =	sld [smem:$0x3FB4]  }
0x2b: {  	s6 =	sld [smem:$0x3FB5]  }
0x2c: {  	s7 =	sld [smem:$0x3FB6]  }
0x2d: {  	s3 =	simm.s32 $0x108;
	s8 =	sld [smem:$0x3FB7]  }
0x2e: {  	s3 =	simm.s32 @!p0 $0x1082;
	s9 =	sld [smem:$0x3FB8]  }
0x2f: {  	lr =	sadd.s32 s0, s3;
	s0 =	sld [smem:$0x3FAF]  }
0x30: {  	s3 =	sld [smem:$0x3FB2]  }
0x31: {  	[smem:$0x3FBB] =	sst s10  }
0x32: {  	s10 =	sld [smem:$0x3FB9];
	_ =	sdelay $0x3  }
0x33: {  	p0 =	seq.s32 s10, $0x1;
	s10 =	sld [smem:$0x3FBB];
	_ =	sdelay $0x3  }
0x34: {  	[smem:$0x3FBB] =	sst s10  }
0x35: {  	s10 =	sld [smem:$0x3FBA];
	_ =	sdelay $0x3  }
0x36: {  	p1 =	seq.s32 s10, $0x1;
	s10 =	sld [smem:$0x3FBB];
	_ =	sdelay $0x3  }
0x37: {  	[smem:$0x3FBB] =	sst s10  }
0x38: {  	s10 =	sld [smem:$0x3FBC]  }
0x39: {  	_ = 	snop;
	(pc) =	sbr.ind lr, $3  }
0x3a: {  	_ = 	snop  }
0x3b: {  	_ = 	snop  }
0x3c: {  	p2 =	seq.s32 s10, $0x1;
	s10 =	sld [smem:$0x3FBB]  }
0x3d: {  	_ =	shalt  }
0x3e: {  	_ =	shalt  }
0x3f: {  	_ =	shalt  }
0x40: {  	_ =	shalt  }
0x41: {  	_ =	shalt  }
0x42: {  	_ =	shalt  }
0x43: {  	_ =	shalt  }
0x44: {  	_ =	shalt  }
0x45: {  	_ =	shalt  }
0x46: {  	_ =	shalt  }
0x47: {  	_ =	shalt  }
0x48: {  	_ =	shalt  }
0x49: {  	_ =	shalt  }
0x4a: {  	_ =	shalt  }
0x4b: {  	_ =	shalt  }
0x4c: {  	_ =	shalt  }
0x4d: {  	_ =	shalt  }
0x4e: {  	_ =	shalt  }
0x4f: {  	_ =	shalt  }
0x50: {  	_ =	shalt  }
0x51: {  	_ =	shalt  }
0x52: {  	_ =	shalt  }
0x53: {  	_ =	shalt  }
0x54: {  	_ =	shalt  }
0x55: {  	_ =	shalt  }
0x56: {  	_ =	shalt  }
0x57: {  	_ =	shalt  }
0x58: {  	_ =	shalt  }
0x59: {  	_ =	shalt  }
0x5a: {  	_ =	shalt  }
0x5b: {  	_ =	shalt  }
0x5c: {  	_ =	shalt  }
0x5d: {  	_ =	shalt  }
0x5e: {  	_ =	shalt  }
0x5f: {  	_ =	shalt  }
0x60: {  	_ =	shalt  }
0x61: {  	_ =	shalt  }
0x62: {  	_ =	shalt  }
0x63: {  	_ =	shalt  }
0x64: {  	_ =	shalt  }
0x65: {  	_ =	shalt  }
0x66: {  	_ =	shalt  }
0x67: {  	_ =	shalt  }
0x68: {  	_ =	shalt  }
0x69: {  	_ =	shalt  }
0x6a: {  	_ =	shalt  }
0x6b: {  	_ =	shalt  }
0x6c: {  	_ =	shalt  }
0x6d: {  	_ =	shalt  }
0x6e: {  	_ =	shalt  }
0x6f: {  	_ =	shalt  }
0x70: {  	_ =	shalt  }
0x71: {  	_ =	shalt  }
0x72: {  	_ =	shalt  }
0x73: {  	_ =	shalt  }
0x74: {  	_ =	shalt  }
0x75: {  	_ =	shalt  }
0x76: {  	_ =	shalt  }
0x77: {  	_ =	shalt  }
0x78: {  	_ =	shalt  }
0x79: {  	_ =	shalt  }
0x7a: {  	_ =	shalt  }
0x7b: {  	_ =	shalt  }
0x7c: {  	_ =	shalt  }
0x7d: {  	_ =	shalt  }
0x7e: {  	_ =	shalt  }
0x7f: {  	_ =	shalt  }
0x80: {  	_ =	shalt  }
0x81: {  	_ =	shalt  }
0x82: {  	_ =	shalt  }
0x83: {  	_ =	shalt  }
0x84: {  	_ =	shalt  }
0x85: {  	_ =	shalt  }
0x86: {  	_ =	shalt  }
0x87: {  	_ =	shalt  }
.Lfunc_end0:
.L_simem_size_0:
called_computation_lowered:
.L_overlay_start_0:
0x88: {  	s2 =	sld [smem:$0x3FD9]  }
0x89: {  	s3 =	sld [smem:$0x3FFE];
	_ =	sdelay $0x1  }
0x8a: {  	s1 =	srdreg.scid  }
0x8b: {  	s0 =	sand.u32 $0x1, s1  }
0x8c: {  	s14 =	sshll.u32 s0, $0xA;
	s2 =	sadd.s32 s3, s2  }
0x8d: {  	s2 =	sadd.s32 s2, s14  }
0x8e: {  	[smem:$0x3FC7] =	sst s2  }
0x8f: {  	_ = 	snop  }
0x90: {  	s2 =	sld [smem:$0x3FD0];
	_ =	sdelay $0x2  }
0x91: {  	s15 =	simm.s32 $0xA;
	s4 =	simm.s32 $0x10  }
0x92: {  	[smem:s4], [sflag:s15] =	dma.local [hbm:s2], $0x1  }
0x93: {  	_ =	swait.eq [sflag:s15], $0x1  }
0x94: {  	s16 =	sld [smem:$0x10]  }
0x95: {  	s17 =	sld [smem:$0x11];
	[sflag:s15] =	ssyncset.done $0x0  }
0x96: {  	s5 =	sld [smem:$0x12];
	[sflag:s15] =	ssyncadd.s32 $0xFFFFFFFF  }
0x97: {  	s18 =	sld [smem:$0x13];
	(tm) =	ssettm $0x1  }
0x98: {  	s6 =	sld [smem:$0x3FFB];
	_ =	sdelay $0x3  }
0x99: {  	_ =	strace s6  }
0x9a: {  	s6 =	sld [smem:$0x3FFC];
	_ =	sdelay $0x3  }
0x9b: {  	_ =	strace s6  }
0x9c: {  	s6 =	sld [smem:$0x3FFD];
	_ =	sdelay $0x3  }
0x9d: {  	_ =	strace s6  }
0x9e: {  	_ =	strace $0x8FFFFFFF  }
0x9f: {  	s19 =	sld [smem:$0x3FDB];
	_ =	sdelay $0x1  }
0xa0: {  	s7 =	simm.s32 $_scs_section_size  }
0xa1: {  	s8 =	simm.s32 $_size__tile_overlayer_lowered;
	s9 =	simm.s32 $_tile_overlayer_lowered  }
0xa2: {  	s22 =	simm.s32 $0x1BFF;
	s21 =	sshll.u32 s9, $0x1;
	s6 =	sadd.s32 s7, s19  }
0xa3: {  	s10 =	simm.s32 $0x0;
	s20 =	sshll.u32 s8, $0x1;
	s8 =	sadd.s32 s21, s6  }
0xa4: {  	[timem:s10], [sflag:s22] =	dma.local [hbm:s8], s20  }
0xa5: {  	_ =	swait.ge [sflag:s22], s20  }
0xa6: {  	s7 =	ssub.s32 $0x0, s20;
	[sflag:s22] =	ssyncset.done $0x0  }
0xa7: {  	[sflag:s22] =	ssyncadd.s32 s7;
	_ =	sdelay $0x1  }
0xa8: {  	s23 =	simm.s32 $0x1B8B  }
0xa9: {  	_ =	swait.ge [sflag:s23], $0x1  }
0xaa: {  	[sflag:s23] =	ssyncset.done $0x0  }
0xab: {  	s25 =	simm.s32 $0x1B8E;
	s24 =	sld [smem:$0x3FFE];
	[sflag:s23] =	ssyncadd.s32 $0xFFFFFFFF  }
0xac: {  	s26 =	simm.s32 $execute0_lowered;
	[smem:$0x3FD2] =	sst s25  }
0xad: {  	s8 =	sshll.u32 s26, $0x1;
	_ =	strace $0x80000046;
	[dreg:$0x1] =	wrdreg $0xFFFFFFFF  }
0xae: {  	s28 =	simm.s32 $_size_execute0_lowered;
	s6 =	sadd.s32 s6, s8;
	[dreg:$0x0] =	wrdreg $0x0  }
0xaf: {  	s8 =	sshll.u32 s28, $0x1;
	[dreg:$0x2] =	wrdreg s6  }
0xb0: {  	[dreg:$0x3] =	wrdreg s8  }
0xb1: {  	[dreg:$0x4] =	wrdreg $0xC0  }
0xb2: {  	_ =	task [dreg:s10], $0x5FFFF  }
0xb3: {  	[dreg:$0x1] =	wrdreg $0xFFFFFFFF  }
0xb4: {  	[dreg:$0x0] =	wrdreg $0x60  }
0xb5: {  	[dreg:$0x2] =	wrdreg s17  }
0xb6: {  	[dreg:$0x3] =	wrdreg s16  }
0xb7: {  	[dreg:$0x4] =	wrdreg s18  }
0xb8: {  	[dreg:$0x5] =	wrdreg s5  }
0xb9: {  	[dreg:$0x6] =	wrdreg s24  }
0xba: {  	[dreg:$0x7] =	wrdreg $0x9  }
0xbb: {  	_ =	task.clear_ibuf [dreg:s10], $0x8FFFF;
	_ =	strace $0x90000046  }
0xbc: {  	s29 =	simm.s32 $0x9;
	_ =	strace $0x80000048  }
0xbd: {  	_ =	swait.ge [sflag:s29], $0x1  }
0xbe: {  	[sflag:s29] =	ssyncadd.s32 $0xFFFFFFFF  }
0xbf: {  	_ =	strace $0x90000048  }
0xc0: {  	_ =	sfence  }
0xc1: {  	s30 =	sld [smem:$0x0];
	_ =	sdelay $0x2  }
0xc2: {  	s31 =	sshll.u32 s1, $0xD;
	s1 =	sshrl.u32 s1, $0x2  }
0xc3: {  	s3 =	sand.u32 $0x4000, s31;
	s1 =	sadd.s32 s1, s30  }
0xc4: {  	s0 =	sor.u32 s3, s0;
	s1 =	sshll.u32 s1, $0x11  }
0xc5: {  	s0 =	sor.u32 s1, s0  }
0xc6: {  	s0 =	sadd.s32 $0x8F2B, s0  }
0xc7: {  	[sflag:s0] =	ssyncadd.remote.s32 $0x1  }
0xc8: {  	_ =	sfence.sel $0xFFFF  }
0xc9: {  	[dreg:$0x0] =	wrdreg $0xFFFFFFFF;
	(pc) =	sbr.abs _section_cstart, $3  }
0xca: {  	[dreg:$0x1] =	wrdreg $0xFFFFFFFF  }
0xcb: {  	_ =	task.clear_ibuf [dreg:s10], $0x2FFFF;
	_ =	strace $0x9FFFFFFF  }
0xcc: {  	(tm) =	ssettm $0x7FFFFFFF  }
0xcd: {  	_ =	shalt  }
tec
execute0_lowered:
.L_overlay_start_1:
0x0: {  	(tag) =	ssettag $0x1  }
0x1: {  	s0 =	rddreg [dreg:$0x0]  }
0x2: {  	s1 =	rddreg [dreg:$0x1]  }
0x3: {  	s3 =	rddreg [dreg:$0x2]  }
0x4: {  	s6 =	rddreg [dreg:$0x3]  }
0x5: {  	s2 =	srdreg.scid;
	s7 =	stileid.u32  }
0x6: {  	s4 =	rddreg [dreg:$0x4];
	s10 =	simm.s32 $0x8000;
	s11 =	simm.s32 $0x8800  }
0x7: {  	s5 =	sand.u32 $0x1, s2;
	s7 =	sshll.u32 s7, $0x1;
	s2 =	simm.s32 $0x0  }
0x8: {  	s14 =	simm.s32 $0x0;
	s7 =	sor.u32 s5, s7;
	[smem:$0x7FF] =	sst s2  }
0x9: {  	s5 =	ssub.s32 $0x2, s5;
	s8 =	sshll.u32 s7, $0x3;
	s29 =	sshll.u32 s7, $0xB  }
0xa: {  	_ =	strace $0x80000047;
	s28 =	sshrl.u32 s5, $0x1;
	s0 =	sadd.s32 s0, s29  }
0xb: {  	v0 =	vlaneseq.u32;
	s7 =	sshll.u32 s7, $0x8;
	s30 =	sadd.s32 s1, s29;
	[dreg:$0x6] =	wrdreg s0  }
0xc: {  	vm0 =	vcmask $0x308;
	v1 =	vmul.u32 $0xFFFFFFFF, v0;
	s8 =	sadd.s32 s8, s4;
	s31 =	sadd.s32 s3, s7;
	[dreg:$0x7] =	wrdreg s30  }
0xd: {  	vm1 =	vmmov $0x3;
	v5 =	vimm.f32 $0.0e+00;
	v2 =	vor.u32 $0x10, v0;
	s9 =	ssub.s32 s5, s28;
	s6 =	sadd.s32 s6, s7;
	[dreg:$0x8] =	wrdreg s31  }
0xe: {  	v3 =	vor.u32 $0x20, v0;
	v4 =	vor.u32 $0x30, v0;
	v1 =	vadd.s32 $0x3F, v1;
	s7 =	sadd.s32 $0x1800, s8;
	s8 =	smax.u32 s9, $0x1;
	s9 =	simm.s32 $0x1  }
.LBB2_1:
0xf: {  	s0 =	rddreg [dreg:$0x6]  }
0x10: {  	[tilespmem:s2], [sflag:$0x1] =	stream.linear.gather [hbm4b:s0+s2], $0x4000, $0x38;
	[tilespmem:$0x9080] =	vst v63  }
0x11: {  	_ =	swait.ge [sflag:s9], $0x4000  }
0x12: {  	[sflag:s9] =	ssyncset.done $0x0  }
0x13: {  	[sflag:s9] =	ssyncadd.s32 $0xFFFFC000  }
0x14: {  	[tilespmem:$0x9000] =	vst v5  }
0x15: {  	[tilespmem:$0x9010] =	vst v5  }
0x16: {  	[tilespmem:$0x9020] =	vst v5  }
0x17: {  	s12 =	simm.s32 $0x20;
	[tilespmem:$0x9030] =	vst v5  }
0x18: {  	v6 =	vld [tilespmem:s12+$0xFFFFFFE0];
	_ =	sdelay $0x4  }
0x19: {  	v6 =	vmul.f32 $1.442695020e+00, v6;
	_ =	sdelay $0x1  }
0x1a: {  	(erf) = vpow2.f32 v6;
	_ =	sdelay $0x1  }
0x1b: {  	s1 =	simm.s32 $0x40  }
0x1c: {  	s16 =	sor.u32 $0x50, s1;
	v6 =	vld [tilespmem:s12+$0x20]  }
0x1d: {  	v7 =	vld [tilespmem:s16+$0x0]  }
0x1e: {  	v8 =	vld [tilespmem:s12+$0xFFFFFFF0]  }
0x1f: {  	v9 =	vld [tilespmem:s12+$0x0];
	_ =	sdelay $0x1  }
0x20: {  	v6 =	vmul.f32 $1.442695020e+00, v6  }
0x21: {  	v7 =	vmul.f32 $1.442695020e+00, v7;
	v11 =	vpop (erf)  }
0x22: {  	(erf) = vpow2.f32 v6;
	v6 =	vmul.f32 $1.442695020e+00, v8;
	v8 =	vand.u32 $0xFFFFFFC0, v11  }
0x23: {  	s15 =	sor.u32 $0x60, s1;
	(erf) = vpow2.f32 v7;
	v7 =	vmul.f32 $1.442695020e+00, v9;
	v21 =	vor.u32 v1, v8  }
0x24: {  	v9 =	vld [tilespmem:s15+$0x0];
	(erf) = vpow2.f32 v6;
	(xrf1) =	vsort.dscd.msk.f32 $0xffff, v21, v0  }
0x25: {  	s17 =	sor.u32 $0x70, s1;
	v6 =	vld [tilespmem:s12+$0x10];
	(erf) = vpow2.f32 v7  }
0x26: {  	v7 =	vld [tilespmem:s17+$0x0];
	_ =	sdelay $0x2  }
0x27: {  	v8 =	vmul.f32 $1.442695020e+00, v9  }
0x28: {  	v6 =	vmul.f32 $1.442695020e+00, v6  }
0x29: {  	(erf) = vpow2.f32 v8;
	v7 =	vmul.f32 $1.442695020e+00, v7;
	v18 =	vpop (erf)  }
0x2a: {  	(erf) = vpow2.f32 v6;
	v33 =	vpop (erf)  }
0x2b: {  	(xrf2) =	vadd.scan.msk.f32 $0xffff, v11;
	(erf) = vpow2.f32 v7;
	v16 =	vpop (erf)  }
0x2c: {  	(xrf2) =	vadd.scan.msk.f32 $0xffff, v18;
	v35 =	vpop (erf)  }
0x2d: {  	(xrf2) =	vadd.scan.msk.f32 $0xffff, v33;
	v7 =	vand.u32 $0xFFFFFFC0, v35  }
0x2e: {  	(xrf2) =	vadd.scan.msk.f32 $0xffff, v35  }
0x2f: {  	(xrf2) =	vadd.scan.msk.f32 $0xffff, v16  }
0x30: {  	v28 =	vor.u32 v1, v7;
	v7, v9, _ =	vpop (xrf1)  }
0x31: {  	v6 =	vand.u32 $0xFFFFFFC0, v16;
	v13 =	vand.u32 $0xFFFFFFC0, v7  }
0x32: {  	v6 =	vor.u32 v1, v6;
	v24 =	vpop (erf);
	v8 =	vnsel vm1, $0x0, v13  }
0x33: {  	(xrf1) =	vsort.dscd.msk.f32 $0xffff, v6, v2;
	v39 =	vpop (erf)  }
0x34: {  	(xrf2) =	vadd.scan.msk.f32 $0xffff, v24;
	v12 =	vpop (erf)  }
0x35: {  	(xrf2) =	vadd.scan.msk.f32 $0xffff, v8;
	v8, _, _ =	vpop (xrf2)  }
0x36: {  	(xrf1) =	vsort.dscd.msk.f32 $0xffff, v28, v3;
	v10, _, _ =	vpop (xrf2)  }
0x37: {  	(xrf2) =	vadd.scan.msk.f32 $0xffff, v12;
	v14, _, _ =	vpop (xrf2)  }
0x38: {  	(xrf2) =	vadd.scan.msk.f32 $0xffff, v39;
	(v2sf) =	vpush v8, $0xF;
	v8, _, _ =	vpop (xrf2)  }
0x39: {  	(v2sf) =	vpush v10, $0xF;
	v10, _, _ =	vpop (xrf2)  }
0x3a: {  	(v2sf) =	vpush v10, $0xF  }
0x3b: {  	(v2sf) =	vpush v8, $0xF;
	v8 =	vand.u32 $0xFFFFFFC0, v39  }
0x3c: {  	v10 =	vand.u32 $0xFFFFFFC0, v33  }
0x3d: {  	v36 =	vor.u32 v1, v10  }
0x3e: {  	(v2sf) =	vpush v14, $0xF;
	v10 =	vor.u32 v1, v8;
	(xrf1) =	vsort.dscd.msk.f32 $0xffff, v36, v2;
	v8, _, _ =	vpop (xrf2)  }
0x3f: {  	(v2sf) =	vpush v8, $0xF;
	v8 =	vand.u32 $0xFFFFFFC0, v24  }
0x40: {  	v19, _, _ =	vpop (xrf2)  }
0x41: {  	(xrf1) =	vsort.dscd.msk.f32 $0xffff, v10, v4;
	v14, _, _ =	vpop (xrf2)  }
0x42: {  	v37 =	vor.u32 v1, v8;
	(v2sf) =	vpush v14, $0xF;
	v8, _, _ =	vpop (xrf2)  }
0x43: {  	(xrf1) =	vsort.dscd.msk.f32 $0xffff, v37, v3;
	(v2sf) =	vpush v8, $0xF  }
0x44: {  	v8, v14, _ =	vpop (xrf1)  }
0x45: {  	v15 =	vsel vm0, $0x0, v8;
	v20, v17, _ =	vpop (xrf1)  }
0x46: {  	v7 =	vsel vm0, $0x0, v7;
	(xrf2) =	vadd.scan.msk.f32 $0xffff, v15;
	v25 =	vand.u32 $0xFFFFFFC0, v20  }
0x47: {  	v23 =	vand.u32 $0xFFFFFFC0, v8;
	v8 =	vnsel vm1, $0x0, v25;
	(xrf2) =	vadd.scan.msk.f32 $0xffff, v7  }
0x48: {  	(xrf2) =	vadd.scan.msk.f32 $0xffff, v8;
	v8 =	vand.u32 $0xFFFFFFC0, v18  }
0x49: {  	v7 =	vnsel vm1, $0x0, v23  }
0x4a: {  	(xrf2) =	vadd.scan.msk.f32 $0xffff, v7  }
0x4b: {  	s13 =	spop (v2sf)  }
0x4c: {  	s18 =	spop (v2sf);
	v15 =	vor.u32 v1, v8;
	v7 =	vand.u32 $0xFFFFFFC0, v12;
	v26, v8, _ =	vpop (xrf1)  }
0x4d: {  	v20 =	vsel vm0, $0x0, v20;
	s0 =	sadd.f32 $0.0e+00, s13;
	s3 =	spop (v2sf);
	v22 =	vor.u32 v1, v7;
	v7 =	vsel vm0, $0x0, v26  }
0x4e: {  	s1 =	sadd.f32 $0.0e+00, s18;
	(xrf2) =	vadd.scan.msk.f32 $0xffff, v20;
	s12 =	spop (v2sf)  }
0x4f: {  	s0 =	sadd.f32 s3, s0;
	s13 =	spop (v2sf);
	v41, v27, _ =	vpop (xrf1)  }
0x50: {  	(xrf1) =	vsort.dscd.msk.f32 $0xffff, v15, v0;
	s1 =	sadd.f32 s13, s1;
	s19 =	spop (v2sf);
	v29, _, _ =	vpop (xrf2)  }
0x51: {  	s0 =	sadd.f32 s12, s0;
	v32 =	vand.u32 $0xFFFFFFC0, v41;
	(xrf2) =	vadd.scan.msk.f32 $0xffff, v7;
	v30, v7, _ =	vpop (xrf1);
	s20 =	spop (v2sf)  }
0x52: {  	v20 =	vnsel vm1, $0x0, v32;
	s1 =	sadd.f32 s19, s1;
	v31, _, _ =	vpop (xrf2);
	s21 =	spop (v2sf)  }
0x53: {  	(v2sf) =	vpush v19, $0xF;
	(xrf2) =	vadd.scan.msk.f32 $0xffff, v20;
	v34, _, _ =	vpop (xrf2);
	s0 =	sadd.f32 s21, s0  }
0x54: {  	(xrf1) =	vsort.dscd.msk.f32 $0xffff, v22, v4;
	s1 =	sadd.f32 s20, s1;
	v19, _, _ =	vpop (xrf2);
	(v2sf) =	vpush v34, $0xF  }
0x55: {  	v20 =	vsel vm0, $0x0, v30;
	(v2sf) =	vpush v19, $0xF;
	v19 =	vmov s0  }
0x56: {  	(xrf2) =	vadd.scan.msk.f32 $0xffff, v20;
	v20 =	vmov s1  }
0x57: {  	(erf) = vrcp.f32 v20  }
0x58: {  	(erf) = vrcp.f32 v19;
	v19, _, _ =	vpop (xrf2)  }
0x59: {  	v20 =	vand.u32 $0xFFFFFFC0, v30;
	v30 =	vbroadcast v19, $0xF  }
0x5a: {  	s29 =	simm.s32 $0xA0  }
0x5b: {  	v44 =	vld [tilespmem:s29+$0xFFFFFFE0];
	v58 =	vbroadcast v31, $0xF;
	v31 =	vnsel vm1, $0x0, v20;
	v19 =	vand.u32 $0xFFFFFFC0, v26  }
0x5c: {  	v45 =	vld [tilespmem:s29+$0x20];
	(xrf2) =	vadd.scan.msk.f32 $0xffff, v31;
	v43, _, _ =	vpop (xrf2);
	v40 =	vnsel vm1, $0x0, v19  }
0x5d: {  	vm2 =	vle.f32 v30, v28;
	(xrf2) =	vadd.scan.msk.f32 $0xffff, v40;
	v30, _, _ =	vpop (xrf2)  }
0x5e: {  	v38, v26, _ =	vpop (xrf1);
	(v2sf) =	vpush v30, $0xF  }
0x5f: {  	v31 =	vand.u32 $0xFFFFFFC0, v38  }
0x60: {  	s28 =	simm.s32 $0xC0;
	v44 =	vmul.f32 $1.442695020e+00, v44;
	v59 =	vnsel vm1, $0x0, v31;
	v49 =	vpop (erf)  }
0x61: {  	s25 =	sor.u32 $0x50, s28;
	v62 =	vmul.f32 $1.442695020e+00, v45;
	v50 =	vsel vm0, $0x0, v38;
	v42 =	vsel vm2, $0x3F800000, v5;
	v61, _, _ =	vpop (xrf2);
	(xrf2) =	vadd.scan.msk.f32 $0xffff, v59  }
0x62: {  	v51 =	vld [tilespmem:s25+$0x0];
	vm2 =	vle.f32 v58, v21;
	v60, v21, _ =	vpop (xrf1);
	v34 =	vmul.f32 v49, v18;
	v33 =	vmul.f32 v49, v33  }
0x63: {  	v48 =	vsel vm0, $0x0, v60;
	v47 =	vbroadcast v61, $0xF;
	v18 =	vpop (erf);
	(erf) = vpow2.f32 v44  }
0x64: {  	v28 =	vsel vm2, $0x3F800000, v5;
	(xrf2) =	vadd.scan.msk.f32 $0xffff, v48;
	v38 =	vmul.f32 v18, v11;
	v40 =	vmul.f32 v18, v35  }
0x65: {  	v46 =	vadd.f32 v42, v5;
	v45 =	vmul.f32 v18, v39;
	v35 =	vmul.f32 v49, v24  }
0x66: {  	s22 =	spop (v2sf);
	v63, _, _ =	vpop (xrf2);
	vm2 =	vle.f32 v47, v37;
	v37 =	vmul.f32 v18, v16;
	v16 =	vsel vm0, $0x0, v41  }
0x67: {  	s0 =	sadd.f32 $0.0e+00, s22;
	v30 =	vand.u32 $0xFFFFFFC0, v60;
	v24 =	vmul.f32 $1.442695020e+00, v51;
	s23 =	spop (v2sf);
	v18 =	vbroadcast v43, $0xF;
	v41 =	vld [tilespmem:s29+$0xFFFFFFF0];
	v43, _, _ =	vpop (xrf2);
	(xrf2) =	vadd.scan.msk.f32 $0xffff, v16  }
0x68: {  	s30 =	simm.s32 $0x2;
	s26 =	simm.s32 $0x0;
	v42 =	vnsel vm1, $0x0, v30;
	(erf) = vpow2.f32 v62;
	v11 =	vsel vm2, $0x3F800000, v5;
	s31 =	spop (v2sf)  }
0x69: {  	s24 =	simm.s32 $0x4;
	s18 =	simm.s32 $0xE;
	(v2sf) =	vpush v63, $0xF;
	(erf) = vpow2.f32 v24;
	v11 =	vadd.f32 v11, v46;
	s0 =	sadd.f32 s31, s0;
	v46 =	vld [tilespmem:s29+$0x0]  }
0x6a: {  	s19 =	simm.s32 $0x4020;
	s20 =	simm.s32 $0xC;
	s21 =	simm.s32 $0xE;
	vm2 =	vle.f32 v18, v36;
	v36 =	vmul.f32 v49, v12;
	v18 =	vimm.f32 $0.0e+00  }
0x6b: {  	s22 =	simm.s32 $0xA;
	v12 =	vimm.f32 $0.0e+00;
	v24 =	vsel vm2, $0x3F800000, v5;
	s0 =	sadd.f32 s23, s0;
	s23 =	simm.s32 $0x4020;
	v16 =	vimm.f32 $0.0e+00;
	v44, _, _ =	vpop (xrf2)  }
.LBB2_2:
0x6c: {  	s30 =	sadd.s32 $0x2, s30;
	v47 =	vmul.f32 $1.442695020e+00, v41;
	s18 =	sadd.s32 $0x10, s18;
	s19 =	sadd.s32 $0x80, s19;
	(v2sf) =	vpush v44, $0xF;
	(xrf2) =	vadd.scan.msk.f32 $0xffff, v42  }
0x6d: {  	s31 =	sor.u32 $0x60, s28;
	p0 =	slt.u32 s30, $0xFE;
	s1 =	spop (v2sf)  }
0x6e: {  	s3 =	sadd.s32 $0xFFFFFFF2, s18;
	s13 =	sadd.s32 $0xFFFFFFF6, s18;
	v41 =	vmul.f32 $1.442695020e+00, v46;
	v42 =	vld [tilespmem:s31+$0x0];
	(erf) = vpow2.f32 v47;
	s12 =	sadd.f32 s1, s0;
	(v2sf) =	vpush v43, $0xF;
	v39, _, _ =	vpop (xrf2)  }
0x6f: {  	s1 =	sadd.s32 $0xFFFFFFFC, s18;
	s0 =	sadd.s32 $0xFFFFFFFE, s18;
	v39 =	vbroadcast v39, $0xF  }
0x70: {  	(erf) = vpow2.f32 v41;
	v43 =	vmov s12  }
0x71: {  	vm2 =	vle.f32 v39, v22;
	v22, _, _ =	vpop (xrf2);
	(erf) = vrcp.f32 v43  }
0x72: {  	v41 =	vpop (erf);
	v22 =	vbroadcast v22, $0xF;
	v47 =	vsel vm2, $0x3F800000, v5  }
0x73: {  	v39 =	vand.u32 $0xFFFFFFC0, v41;
	v44 =	vmul.f32 $1.442695020e+00, v42;
	(xrf2) =	vadd.scan.msk.f32 $0xffff, v41;
	v42 =	vpop (erf)  }
0x74: {  	v29 =	vbroadcast v29, $0xF;
	v48 =	vor.u32 v1, v39;
	v51 =	vand.u32 $0xFFFFFFC0, v42;
	v43 =	vpop (erf)  }
0x75: {  	vm3 =	vle.f32 v22, v10;
	v49 =	vld [tilespmem:s29+$0x10];
	v39 =	vand.u32 $0xFFFFFFC0, v43;
	(erf) = vpow2.f32 v44  }
0x76: {  	vm2 =	vle.f32 v29, v6;
	v6 =	vsel vm3, $0x3F800000, v5;
	v39 =	vor.u32 v1, v39;
	(xrf2) =	vadd.scan.msk.f32 $0xffff, v50;
	v10, _, _ =	vpop (xrf2)  }
0x77: {  	v18 =	vadd.f32 v6, v18;
	v44 =	vpop (erf);
	(xrf1) =	vsort.dscd.msk.f32 $0xffff, v48, v0;
	(v2sf) =	vpush v10, $0xF  }
0x78: {  	v10 =	vor.u32 s26, v0;
	s26 =	smov.u32 s3;
	v6 =	vand.u32 $0xFFFFFFC0, v44  }
0x79: {  	s12 =	sor.u32 $0x70, s28;
	s3 =	sadd.s32 $0xFFFFFFF4, s21;
	v18 =	vadd.f32 v47, v18;
	v6 =	vor.u32 v1, v6;
	v46 =	vpop (erf);
	(xrf2) =	vadd.scan.msk.f32 $0xffff, v42;
	[tilespmem:s23+$0x10] =	vst v45  }
0x7a: {  	v22 =	vand.u32 $0xFFFFFFC0, v46;
	v29 =	vmul.f32 $1.442695020e+00, v49;
	v45 =	vld [tilespmem:s12+$0x0];
	[tilespmem:s23+$0x0] =	vst v40;
	v40 =	vadd.s32 s3, v0;
	v47 =	vpop (erf);
	s3 =	spop (v2sf)  }
0x7b: {  	v49 =	vadd.s32 s24, v0;
	s24 =	smov.u32 s13;
	[tilespmem:s23+$0xFFFFFFE0] =	vst v38;
	v13 =	vmul.f32 v13, v47;
	v23 =	vmul.f32 v23, v47;
	s4 =	spop (v2sf)  }
0x7c: {  	v38 =	vor.u32 v1, v22;
	v22 =	vmul.f32 v25, v47;
	(xrf2) =	vadd.scan.msk.f32 $0xffff, v43;
	[tilespmem:s23+$0xFFFFFFF0] =	vst v37;
	s4 =	sadd.f32 $0.0e+00, s4  }
0x7d: {  	s13 =	sadd.s32 $0xFFFFFFF8, s21;
	v25, _, _ =	vpop (xrf2);
	(xrf1) =	vsort.dscd.msk.f32 $0xffff, v6, v2;
	[tilespmem:v10+s10+$0x0] =	vst.idx.msk $0x3, v13;
	v13 =	vmul.f32 v32, v47;
	s5 =	spop (v2sf)  }
0x7e: {  	(v2sf) =	vpush v25, $0xF;
	(erf) = vpow2.f32 v29;
	v47 =	vpop (erf);
	[tilespmem:v10+s11+$0x0] =	vst.idx.msk $0x3, v9;
	v9 =	vadd.s32 s13, v0;
	s4 =	sadd.f32 s5, s4  }
0x7f: {  	v29 =	vand.u32 $0xFFFFFFC0, v47;
	v25 =	vmul.f32 $1.442695020e+00, v45;
	(xrf2) =	vadd.scan.msk.f32 $0xffff, v46;
	[tilespmem:v40+s10+$0x0] =	vst.idx.msk $0x3, v23  }
0x80: {  	v37 =	vor.u32 v1, v29;
	[tilespmem:v40+s11+$0x0] =	vst.idx.msk $0x3, v14;
	s3 =	sadd.f32 s3, s4;
	v10, _, _ =	vpop (xrf2)  }
0x81: {  	(erf) = vpow2.f32 v25;
	[tilespmem:v49+s10+$0x0] =	vst.idx.msk $0x3, v22;
	v10 =	vbroadcast v10, $0xF  }
0x82: {  	v14 =	vadd.f32 v28, v16;
	(xrf2) =	vadd.scan.msk.f32 $0xffff, v44;
	[tilespmem:v49+s11+$0x0] =	vst.idx.msk $0x3, v17  }
0x83: {  	(xrf1) =	vsort.dscd.msk.f32 $0xffff, v38, v3;
	v16, _, _ =	vpop (xrf2);
	[tilespmem:v9+s10+$0x0] =	vst.idx.msk $0x3, v13;
	vm3 =	vle.f32 v10, v15  }
0x84: {  	(v2sf) =	vpush v16, $0xF;
	[tilespmem:v9+s11+$0x0] =	vst.idx.msk $0x3, v27;
	v10 =	vsel vm3, $0x3F800000, v5  }
0x85: {  	v15, v9, _ =	vpop (xrf1);
	(xrf2) =	vadd.scan.msk.f32 $0xffff, v47;
	v16 =	vadd.f32 v10, v14  }
0x86: {  	v13 =	vand.u32 $0xFFFFFFC0, v15;
	v15 =	vsel vm0, $0x0, v15;
	v25, _, _ =	vpop (xrf2);
	s4 =	spop (v2sf)  }
0x87: {  	v10 =	vnsel vm1, $0x0, v13;
	v45 =	vpop (erf);
	s3 =	sadd.f32 s4, s3  }
0x88: {  	v28 =	vand.u32 $0xFFFFFFC0, v45;
	(xrf2) =	vadd.scan.msk.f32 $0xffff, v10  }
0x89: {  	v10 =	vor.u32 v1, v28;
	v17, _, _ =	vpop (xrf2);
	v23 =	vmov s3  }
0x8a: {  	v49 =	vpop (erf);
	(erf) = vrcp.f32 v23  }
0x8b: {  	v22 =	vand.u32 $0xFFFFFFC0, v49;
	v27, v14, _ =	vpop (xrf1);
	(xrf2) =	vadd.scan.msk.f32 $0xffff, v49  }
0x8c: {  	v23 =	vand.u32 $0xFFFFFFC0, v27;
	v22 =	vor.u32 v1, v22;
	v28, _, _ =	vpop (xrf2);
	(xrf1) =	vsort.dscd.msk.f32 $0xffff, v39, v2  }
0x8d: {  	v32 =	vnsel vm1, $0x0, v23;
	s3 =	spop (v2sf);
	(v2sf) =	vpush v28, $0xF  }
0x8e: {  	v27 =	vsel vm0, $0x0, v27;
	s13 =	sadd.f32 $0.0e+00, s3;
	(xrf2) =	vadd.scan.msk.f32 $0xffff, v45  }
0x8f: {  	(v2sf) =	vpush v17, $0xF;
	(xrf1) =	vsort.dscd.msk.f32 $0xffff, v10, v4;
	v28, _, _ =	vpop (xrf2)  }
0x90: {  	s3 =	sadd.s32 $0xFFFFFFFA, s21  }
0x91: {  	v29 =	vadd.s32 s3, v0;
	(xrf2) =	vadd.scan.msk.f32 $0xffff, v27;
	v27, v17, _ =	vpop (xrf1)  }
0x92: {  	v40, _, _ =	vpop (xrf2);
	(v2sf) =	vpush v25, $0xF;
	(xrf1) =	vsort.dscd.msk.f32 $0xffff, v37, v3;
	[tilespmem:s23+$0x20] =	vst v34;
	s23 =	smov.u32 s19  }
0x93: {  	v25 =	vand.u32 $0xFFFFFFC0, v27;
	v34 =	vadd.s32 s20, v0;
	s20 =	smov.u32 s0;
	s3 =	spop (v2sf);
	[tilespmem:s16+$0x4000] =	vst v33;
	v33 =	vadd.s32 s22, v0;
	v50 =	vpop (erf);
	s22 =	smov.u32 s1  }
0x94: {  	v52 =	vnsel vm1, $0x0, v25;
	s16 =	smov.u32 s25;
	(v2sf) =	vpush v28, $0xF;
	[tilespmem:s15+$0x4000] =	vst v35;
	v28 =	vmul.f32 v31, v50;
	s15 =	smov.u32 s31  }
0x95: {  	v19 =	vmul.f32 v19, v50;
	v20 =	vmul.f32 v20, v50;
	(xrf2) =	vadd.scan.msk.f32 $0xffff, v15;
	v15, _, _ =	vpop (xrf2);
	[tilespmem:s17+$0x4000] =	vst v36;
	s17 =	smov.u32 s12  }
0x96: {  	[tilespmem:v29+s10+$0x0] =	vst.idx.msk $0x3, v28;
	v28 =	vmul.f32 v30, v50  }
0x97: {  	(v2sf) =	vpush v15, $0xF;
	[tilespmem:v29+s11+$0x0] =	vst.idx.msk $0x3, v26;
	v15 =	vadd.s32 s21, v0;
	s21 =	smov.u32 s18  }
0x98: {  	v26, _, _ =	vpop (xrf2);
	(xrf2) =	vadd.scan.msk.f32 $0xffff, v52;
	[tilespmem:v33+s10+$0x0] =	vst.idx.msk $0x3, v19  }
0x99: {  	(v2sf) =	vpush v26, $0xF;
	[tilespmem:v33+s11+$0x0] =	vst.idx.msk $0x3, v8  }
0x9a: {  	v26 =	vsel vm0, $0x0, v27;
	v27, v8, _ =	vpop (xrf1);
	[tilespmem:v34+s10+$0x0] =	vst.idx.msk $0x3, v20  }
0x9b: {  	v29, _, _ =	vpop (xrf2);
	(xrf2) =	vadd.scan.msk.f32 $0xffff, v32;
	[tilespmem:v34+s11+$0x0] =	vst.idx.msk $0x3, v7  }
0x9c: {  	s0 =	spop (v2sf);
	[tilespmem:v15+s10+$0x0] =	vst.idx.msk $0x3, v28  }
0x9d: {  	v19 =	vand.u32 $0xFFFFFFC0, v27;
	v20 =	vsel vm0, $0x0, v27;
	s0 =	sadd.f32 s0, s13;
	v35, v27, _ =	vpop (xrf1);
	[tilespmem:v15+s11+$0x0] =	vst.idx.msk $0x3, v21  }
0x9e: {  	v15 =	vor.u32 v1, v51;
	v21 =	vnsel vm1, $0x0, v19;
	v32 =	vand.u32 $0xFFFFFFC0, v35;
	s1 =	spop (v2sf);
	(xrf2) =	vadd.scan.msk.f32 $0xffff, v26  }
0x9f: {  	v28 =	vsel vm2, $0x3F800000, v5;
	v26 =	vnsel vm1, $0x0, v32;
	v33, _, _ =	vpop (xrf2);
	(xrf1) =	vsort.dscd.msk.f32 $0xffff, v15, v0  }
0xa0: {  	s3 =	sadd.f32 $0.0e+00, s3;
	v12 =	vadd.f32 v28, v12;
	v34 =	vbroadcast v33, $0xF;
	v31, v7, _ =	vpop (xrf1)  }
0xa1: {  	v33 =	vsel vm0, $0x0, v31;
	s4 =	spop (v2sf);
	(xrf2) =	vadd.scan.msk.f32 $0xffff, v20  }
0xa2: {  	vm2 =	vle.f32 v34, v48;
	s3 =	sadd.f32 s4, s3;
	v30, _, _ =	vpop (xrf2);
	(xrf1) =	vsort.dscd.msk.f32 $0xffff, v22, v4  }
0xa3: {  	v12 =	vadd.f32 v24, v12;
	v28 =	vsel vm2, $0x3F800000, v5;
	s4 =	spop (v2sf)  }
0xa4: {  	s3 =	sadd.f32 s4, s3;
	(xrf2) =	vadd.scan.msk.f32 $0xffff, v26  }
0xa5: {  	v20 =	vand.u32 $0xFFFFFFC0, v31;
	(v2sf) =	vpush v40, $0xF;
	v24, _, _ =	vpop (xrf2)  }
0xa6: {  	v26 =	vnsel vm1, $0x0, v20;
	(v2sf) =	vpush v30, $0xF;
	s4 =	spop (v2sf)  }
0xa7: {  	s0 =	sadd.f32 s1, s0;
	(v2sf) =	vpush v24, $0xF;
	(xrf2) =	vadd.scan.msk.f32 $0xffff, v33  }
0xa8: {  	s1 =	sadd.f32 s4, s3;
	s3 =	spop (v2sf);
	v24, _, _ =	vpop (xrf2)  }
0xa9: {  	s0 =	sadd.f32 s3, s0  }
0xaa: {  	v30 =	vmov s1  }
0xab: {  	v33 =	vbroadcast v24, $0xF;
	v31 =	vmov s0;
	(erf) = vrcp.f32 v30;
	v36, _, _ =	vpop (xrf2)  }
0xac: {  	(erf) = vrcp.f32 v31;
	(xrf2) =	vadd.scan.msk.f32 $0xffff, v26  }
0xad: {  	vm2 =	vle.f32 v33, v38;
	v24, v26, _ =	vpop (xrf1)  }
0xae: {  	v30 =	vsel vm2, $0x3F800000, v5;
	v31 =	vand.u32 $0xFFFFFFC0, v24;
	v50 =	vsel vm0, $0x0, v24;
	v24, _, _ =	vpop (xrf2)  }
0xaf: {  	v11 =	vadd.f32 v30, v11;
	v30 =	vnsel vm1, $0x0, v31;
	(v2sf) =	vpush v24, $0xF;
	(xrf2) =	vadd.scan.msk.f32 $0xffff, v21  }
0xb0: {  	v24, v21, _ =	vpop (xrf1)  }
0xb1: {  	s29 =	sadd.s32 $0x80, s29;
	v33, _, _ =	vpop (xrf2)  }
0xb2: {  	v48 =	vld [tilespmem:s29+$0xFFFFFFE0];
	v51 =	vbroadcast v33, $0xF;
	(xrf2) =	vadd.scan.msk.f32 $0xffff, v30  }
0xb3: {  	s28 =	sadd.s32 $0x80, s28;
	v38 =	vsel vm0, $0x0, v24;
	v52 =	vld [tilespmem:s29+$0x20]  }
0xb4: {  	s25 =	sor.u32 $0x50, s28;
	v30 =	vand.u32 $0xFFFFFFC0, v24;
	s0 =	spop (v2sf);
	v24 =	vpop (erf)  }
0xb5: {  	v53 =	vld [tilespmem:s25+$0x0];
	s0 =	sadd.f32 $0.0e+00, s0;
	v34 =	vmul.f32 v24, v42;
	v33 =	vmul.f32 v24, v43;
	v42 =	vnsel vm1, $0x0, v30;
	v43 =	vpop (erf);
	s1 =	spop (v2sf);
	(xrf2) =	vadd.scan.msk.f32 $0xffff, v38  }
0xb6: {  	vm2 =	vle.f32 v51, v37;
	v38 =	vmul.f32 v43, v41;
	v40 =	vmul.f32 v43, v46;
	s3 =	spop (v2sf);
	v51, _, _ =	vpop (xrf2)  }
0xb7: {  	v35 =	vsel vm0, $0x0, v35;
	v37 =	vmul.f32 v43, v44;
	v48 =	vmul.f32 $1.442695020e+00, v48;
	s0 =	sadd.f32 s3, s0  }
.Ltmp0:
0xb8: {  	v45 =	vmul.f32 v43, v45;
	v46 =	vsel vm2, $0x3F800000, v5;
	v41 =	vld [tilespmem:s29+$0xFFFFFFF0];
	v44 =	vmul.f32 $1.442695020e+00, v52;
	(xrf2) =	vadd.scan.msk.f32 $0xffff, v35;
	(pc) =	sbr.rel @p0 .LBB2_2-.Ltmp0, $4  }
0xb9: {  	v36 =	vbroadcast v36, $0xF;
	v11 =	vadd.f32 v46, v11;
	v35 =	vmul.f32 v24, v47;
	s0 =	sadd.f32 s1, s0;
	v43, _, _ =	vpop (xrf2)  }
0xba: {  	v46 =	vld [tilespmem:s29+$0x0];
	v47 =	vmul.f32 $1.442695020e+00, v53;
	(erf) = vpow2.f32 v48  }
0xbb: {  	vm2 =	vle.f32 v36, v39;
	v36 =	vmul.f32 v24, v49;
	(erf) = vpow2.f32 v44  }
0xbc: {  	v24 =	vsel vm2, $0x3F800000, v5;
	(erf) = vpow2.f32 v47;
	v44, _, _ =	vpop (xrf2);
	(v2sf) =	vpush v51, $0xF  }
0xbd: {  	_ =	sdelay $0x3  }
0xbe: {  	s30 =	sor.u32 $0x60, s28  }
0xbf: {  	v39 =	vmul.f32 $1.442695020e+00, v41;
	v60 =	vld [tilespmem:s30+$0x0]  }
0xc0: {  	v47 =	vld [tilespmem:s29+$0x10];
	v46 =	vmul.f32 $1.442695020e+00, v46;
	v55 =	vpop (erf)  }
0xc1: {  	s1 =	spop (v2sf);
	(erf) = vpow2.f32 v39;
	v61 =	vand.u32 $0xFFFFFFC0, v55  }
0xc2: {  	s0 =	sadd.f32 s1, s0;
	(erf) = vpow2.f32 v46;
	v39 =	vor.u32 v1, v61  }
0xc3: {  	(xrf1) =	vsort.dscd.msk.f32 $0xffff, v39, v0  }
0xc4: {  	s28 =	sor.u32 $0x70, s28;
	v62 =	vmov s0;
	v41 =	vmul.f32 $1.442695020e+00, v60;
	[tilespmem:$0x1FF10] =	vst v39  }
0xc5: {  	v63 =	vmul.f32 $1.442695020e+00, v47;
	(erf) = vrcp.f32 v62;
	v46 =	vld [tilespmem:s28+$0x0]  }
0xc6: {  	(erf) = vpow2.f32 v41  }
0xc7: {  	(erf) = vpow2.f32 v63  }
0xc8: {  	v61 =	vpop (erf)  }
0xc9: {  	(xrf2) =	vadd.scan.msk.f32 $0xffff, v42;
	v58 =	vpop (erf)  }
0xca: {  	(xrf2) =	vadd.scan.msk.f32 $0xffff, v55;
	v63 =	vpop (erf);
	v41 =	vmul.f32 $1.442695020e+00, v46  }
0xcb: {  	(xrf2) =	vadd.scan.msk.f32 $0xffff, v50;
	v47 =	vand.u32 $0xFFFFFFC0, v63;
	v54 =	vpop (erf)  }
0xcc: {  	(xrf2) =	vadd.scan.msk.f32 $0xffff, v61;
	v48 =	vor.u32 v1, v47;
	v49 =	vand.u32 $0xFFFFFFC0, v54;
	(erf) = vpow2.f32 v41  }
0xcd: {  	v39 =	vor.u32 v1, v49;
	(xrf1) =	vsort.dscd.msk.f32 $0xffff, v48, v2  }
0xce: {  	v42 =	vpop (erf);
	(xrf1) =	vsort.dscd.msk.f32 $0xffff, v39, v3  }
0xcf: {  	(xrf2) =	vadd.scan.msk.f32 $0xffff, v58;
	v56 =	vpop (erf)  }
0xd0: {  	v50 =	vand.u32 $0xFFFFFFC0, v58;
	(xrf2) =	vadd.scan.msk.f32 $0xffff, v54;
	v52 =	vpop (erf)  }
0xd1: {  	v51 =	vor.u32 v1, v50;
	[tilespmem:$0x1FF90] =	vst v48;
	(xrf2) =	vadd.scan.msk.f32 $0xffff, v63;
	v57 =	vand.u32 $0xFFFFFFC0, v52;
	v46, v53, _ =	vpop (xrf1)  }
0xd2: {  	v59, _, _ =	vpop (xrf2);
	v60 =	vor.u32 v1, v57;
	v57 =	vand.u32 $0xFFFFFFC0, v56;
	(xrf1) =	vsort.dscd.msk.f32 $0xffff, v51, v2;
	v62 =	vand.u32 $0xFFFFFFC0, v46  }
0xd3: {  	[tilespmem:$0x1FEE0] =	vst v53;
	v53, _, _ =	vpop (xrf2);
	(xrf1) =	vsort.dscd.msk.f32 $0xffff, v60, v4;
	v48 =	vnsel vm1, $0x0, v62  }
0xd4: {  	[tilespmem:$0x1FEB0] =	vst v59;
	(xrf2) =	vadd.scan.msk.f32 $0xffff, v56;
	v49, _, _ =	vpop (xrf2)  }
0xd5: {  	[tilespmem:$0x1FF60] =	vst v51;
	v59 =	vor.u32 v1, v57;
	(xrf2) =	vadd.scan.msk.f32 $0xffff, v48;
	v57 =	vpop (erf)  }
0xd6: {  	[tilespmem:$0x1FFC0] =	vst v60;
	v48, _, _ =	vpop (xrf2)  }
0xd7: {  	[tilespmem:$0x1FF50] =	vst v59;
	v60 =	vand.u32 $0xFFFFFFC0, v61;
	(xrf1) =	vsort.dscd.msk.f32 $0xffff, v59, v3;
	v51, _, _ =	vpop (xrf2)  }
0xd8: {  	(v2sf) =	vpush v44, $0xF;
	[tilespmem:$0x1FEC0] =	vst v53;
	v53 =	vor.u32 v1, v60;
	v59 =	vand.u32 $0xFFFFFFC0, v57;
	v44, _, _ =	vpop (xrf2)  }
0xd9: {  	(v2sf) =	vpush v43, $0xF;
	[tilespmem:$0x1FFB0] =	vst v53;
	(xrf1) =	vsort.dscd.msk.f32 $0xffff, v53, v0;
	v53 =	vor.u32 v1, v59;
	v43, _, _ =	vpop (xrf2)  }
0xda: {  	(v2sf) =	vpush v49, $0xF;
	(xrf2) =	vadd.scan.msk.f32 $0xffff, v57;
	[tilespmem:$0x1FFE0] =	vst v53;
	v47, _, _ =	vpop (xrf2)  }
0xdb: {  	(v2sf) =	vpush v48, $0xF;
	[tilespmem:$0x1FED0] =	vst v51;
	v49, v60, _ =	vpop (xrf1)  }
0xdc: {  	(xrf2) =	vadd.scan.msk.f32 $0xffff, v52;
	(v2sf) =	vpush v44, $0xF;
	[tilespmem:$0x1FF00] =	vst v60;
	v51, v60, _ =	vpop (xrf1);
	v44 =	vand.u32 $0xFFFFFFC0, v49  }
0xdd: {  	(xrf1) =	vsort.dscd.msk.f32 $0xffff, v53, v4;
	v59 =	vsel vm0, $0x0, v49;
	v53, _, _ =	vpop (xrf2);
	[tilespmem:$0x1FF30] =	vst v60;
	v60 =	vnsel vm1, $0x0, v44  }
0xde: {  	v41 =	vsel vm0, $0x0, v46;
	(xrf2) =	vadd.scan.msk.f32 $0xffff, v59;
	v50 =	vand.u32 $0xFFFFFFC0, v51;
	(v2sf) =	vpush v53, $0xF;
	v46, _, _ =	vpop (xrf2)  }
0xdf: {  	(xrf2) =	vadd.scan.msk.f32 $0xffff, v41;
	v59 =	vnsel vm1, $0x0, v50;
	(v2sf) =	vpush v47, $0xF;
	v47, _, _ =	vpop (xrf2)  }
0xe0: {  	(xrf2) =	vadd.scan.msk.f32 $0xffff, v59;
	v49, v53, _ =	vpop (xrf1)  }
0xe1: {  	(v2sf) =	vpush v43, $0xF;
	v59 =	vsel vm0, $0x0, v51;
	(xrf2) =	vadd.scan.msk.f32 $0xffff, v60;
	v51, v60, _ =	vpop (xrf1)  }
0xe2: {  	[tilespmem:$0x1FFA0] =	vst v53;
	v53 =	vsel vm0, $0x0, v49;
	v48 =	vand.u32 $0xFFFFFFC0, v51  }
0xe3: {  	(v2sf) =	vpush v46, $0xF;
	(xrf2) =	vadd.scan.msk.f32 $0xffff, v59;
	v59 =	vnsel vm1, $0x0, v48  }
0xe4: {  	[tilespmem:$0x1FF20] =	vst v39;
	v43, _, _ =	vpop (xrf2)  }
0xe5: {  	(v2sf) =	vpush v43, $0xF;
	[tilespmem:$0x1FF40] =	vst v60;
	(xrf2) =	vadd.scan.msk.f32 $0xffff, v53;
	v53, v60, _ =	vpop (xrf1)  }
0xe6: {  	s13 =	spop (v2sf);
	v41, _, _ =	vpop (xrf2);
	(xrf2) =	vadd.scan.msk.f32 $0xffff, v59;
	[tilespmem:$0x1FFD0] =	vst v60;
	v39 =	vsel vm0, $0x0, v53;
	v60 =	vand.u32 $0xFFFFFFC0, v53  }
0xe7: {  	s29 =	spop (v2sf);
	v49 =	vand.u32 $0xFFFFFFC0, v49;
	(v2sf) =	vpush v41, $0xF;
	(xrf2) =	vadd.scan.msk.f32 $0xffff, v39;
	v53 =	vnsel vm1, $0x0, v60;
	v43, v59, _ =	vpop (xrf1)  }
0xe8: {  	s1 =	sadd.f32 $0.0e+00, s29;
	v41 =	vnsel vm1, $0x0, v49;
	(xrf2) =	vadd.scan.msk.f32 $0xffff, v53;
	v46 =	vand.u32 $0xFFFFFFC0, v43  }
0xe9: {  	s3 =	spop (v2sf);
	[tilespmem:$0x1FF80] =	vst v59;
	(xrf2) =	vadd.scan.msk.f32 $0xffff, v41;
	v59, _, _ =	vpop (xrf2);
	v41 =	vnsel vm1, $0x0, v46  }
0xea: {  	s1 =	sadd.f32 s3, s1;
	[tilespmem:$0x1FF70] =	vst v59;
	v53, _, _ =	vpop (xrf2);
	(xrf2) =	vadd.scan.msk.f32 $0xffff, v41  }
0xeb: {  	(v2sf) =	vpush v47, $0xF;
	s31 =	spop (v2sf);
	[tilespmem:$0x1FEF0] =	vst v53;
	v47, v59, _ =	vpop (xrf1)  }
0xec: {  	s0 =	sadd.f32 s13, s1;
	s12 =	spop (v2sf);
	v53, _, _ =	vpop (xrf2);
	[tilespmem:$0x1FFF0] =	vst v59;
	v59 =	vsel vm0, $0x0, v47  }
0xed: {  	s4 =	spop (v2sf);
	(v2sf) =	vpush v53, $0xF;
	v39, _, _ =	vpop (xrf2)  }
0xee: {  	v51 =	vsel vm0, $0x0, v51;
	s0 =	sadd.f32 s31, s0;
	(v2sf) =	vpush v39, $0xF;
	v53, _, _ =	vpop (xrf2);
	s5 =	spop (v2sf)  }
0xef: {  	s4 =	sadd.f32 $0.0e+00, s4;
	v47 =	vand.u32 $0xFFFFFFC0, v47;
	(xrf2) =	vadd.scan.msk.f32 $0xffff, v59;
	s13 =	spop (v2sf);
	v59, _, _ =	vpop (xrf2)  }
0xf0: {  	s1 =	sadd.f32 $0.0e+00, s12;
	v41 =	vnsel vm1, $0x0, v47;
	(xrf2) =	vadd.scan.msk.f32 $0xffff, v51;
	s12 =	spop (v2sf);
	v39, _, _ =	vpop (xrf2)  }
0xf1: {  	(xrf2) =	vadd.scan.msk.f32 $0xffff, v41;
	v41 =	vor.u32 s26, v0;
	s4 =	sadd.f32 s12, s4;
	v51, _, _ =	vpop (xrf2)  }
0xf2: {  	s29 =	sadd.s32 $0xFFFFFFF4, s21;
	[tilespmem:s23+$0x10] =	vst v45;
	s1 =	sadd.f32 s5, s1;
	s31 =	spop (v2sf);
	(v2sf) =	vpush v39, $0xF;
	v39, _, _ =	vpop (xrf2)  }
0xf3: {  	[tilespmem:s23+$0x0] =	vst v40;
	v40 =	vadd.s32 s29, v0;
	s4 =	sadd.f32 s31, s4;
	v45, _, _ =	vpop (xrf2)  }
0xf4: {  	v13 =	vmul.f32 v13, v42;
	[tilespmem:s23+$0xFFFFFFE0] =	vst v38;
	s1 =	sadd.f32 s13, s1;
	s13 =	spop (v2sf);
	(v2sf) =	vpush v39, $0xF;
	v38, _, _ =	vpop (xrf2)  }
0xf5: {  	[tilespmem:s23+$0xFFFFFFF0] =	vst v37;
	v37 =	vadd.s32 s24, v0;
	s3 =	sadd.f32 s13, s4;
	(v2sf) =	vpush v38, $0xF;
	v38 =	vmov s0  }
0xf6: {  	s24 =	sadd.s32 $0xFFFFFFF8, s21;
	s26 =	spop (v2sf);
	[tilespmem:v41+s10+$0x0] =	vst.idx.msk $0x3, v13;
	(erf) = vrcp.f32 v38;
	v38 =	vmul.f32 v23, v42  }
0xf7: {  	s1 =	sadd.f32 s26, s1;
	v39 =	vadd.s32 s24, v0;
	[tilespmem:v41+s11+$0x0] =	vst.idx.msk $0x3, v9;
	v41 =	vmov s3  }
0xf8: {  	v25 =	vmul.f32 v25, v42;
	(erf) = vrcp.f32 v41;
	[tilespmem:v40+s10+$0x0] =	vst.idx.msk $0x3, v38  }
0xf9: {  	(v2sf) =	vpush v45, $0xF;
	v45 =	vmov s1;
	[tilespmem:v40+s11+$0x0] =	vst.idx.msk $0x3, v14  }
0xfa: {  	v32 =	vmul.f32 v32, v42;
	(erf) = vrcp.f32 v45;
	[tilespmem:v37+s10+$0x0] =	vst.idx.msk $0x3, v25  }
0xfb: {  	s29 =	spop (v2sf);
	[tilespmem:v37+s11+$0x0] =	vst.idx.msk $0x3, v17  }
0xfc: {  	s4 =	sadd.s32 $0xFFFFFFFA, s21;
	s0 =	sadd.f32 $0.0e+00, s29;
	s31 =	spop (v2sf);
	[tilespmem:v39+s10+$0x0] =	vst.idx.msk $0x3, v32  }
0xfd: {  	s5 =	spop (v2sf);
	[tilespmem:v39+s11+$0x0] =	vst.idx.msk $0x3, v27;
	v39 =	vadd.s32 s4, v0  }
0xfe: {  	[tilespmem:s23+$0x20] =	vst v34;
	s0 =	sadd.f32 s5, s0  }
0xff: {  	[tilespmem:s16+$0x4000] =	vst v33;
	v23 =	vpop (erf)  }
0x100: {  	[tilespmem:s15+$0x4000] =	vst v35;
	v40 =	vadd.s32 s22, v0;
	s0 =	sadd.f32 s31, s0;
	v41 =	vmul.f32 v31, v23  }
0x101: {  	[tilespmem:s17+$0x4000] =	vst v36;
	s12 =	spop (v2sf);
	v25 =	vpop (erf)  }
0x102: {  	s0 =	sadd.f32 s12, s0;
	v34 =	vmul.f32 v25, v61;
	[tilespmem:v39+s10+$0x0] =	vst.idx.msk $0x3, v41  }
0x103: {  	s16 =	sadd.s32 $0x80, s19;
	v19 =	vmul.f32 v19, v23;
	v42 =	vpop (erf);
	[tilespmem:v39+s11+$0x0] =	vst.idx.msk $0x3, v26  }
0x104: {  	v45 =	vmul.f32 v42, v52;
	v52 =	vmov s0;
	[tilespmem:s16+$0x20] =	vst v34  }
0x105: {  	v31 =	vmul.f32 v42, v54;
	(erf) = vrcp.f32 v52;
	[tilespmem:v40+s10+$0x0] =	vst.idx.msk $0x3, v19  }
0x106: {  	v32 =	vmul.f32 v42, v55;
	[tilespmem:s16+$0x10] =	vst v45  }
0x107: {  	v33 =	vadd.s32 s20, v0;
	v14 =	vmul.f32 v42, v63;
	[tilespmem:s16+$0x0] =	vst v31  }
0x108: {  	[tilespmem:s16+$0xFFFFFFE0] =	vst v32  }
0x109: {  	v35 =	vadd.s32 s21, v0;
	v13, _, _ =	vpop (xrf2);
	v36 =	vmul.f32 v25, v58;
	[tilespmem:s16+$0xFFFFFFF0] =	vst v14  }
0x10a: {  	s18 =	sadd.s32 $0x10, s18;
	v9, _, _ =	vpop (xrf2);
	v37 =	vmul.f32 v20, v23;
	[tilespmem:v40+s11+$0x0] =	vst.idx.msk $0x3, v8  }
0x10b: {  	s19 =	sadd.s32 $0xFFFFFFF2, s18;
	v38, _, _ =	vpop (xrf2);
	v40 =	vld [tilespmem:$0x1FEB0];
	[tilespmem:s25+$0x4000] =	vst v36  }
0x10c: {  	(v2sf) =	vpush v38, $0xF;
	v38 =	vor.u32 s19, v0;
	v23 =	vmul.f32 v30, v23;
	v41 =	vld [tilespmem:$0x1FEC0];
	[tilespmem:v33+s10+$0x0] =	vst.idx.msk $0x3, v37  }
0x10d: {  	v45 =	vmul.f32 v25, v56;
	[tilespmem:v33+s11+$0x0] =	vst.idx.msk $0x3, v7  }
0x10e: {  	v7 =	vld [tilespmem:$0x1FED0];
	[tilespmem:v35+s10+$0x0] =	vst.idx.msk $0x3, v23;
	v52 =	vpop (erf)  }
0x10f: {  	[tilespmem:s30+$0x4000] =	vst v45;
	v56 =	vmul.f32 v62, v52  }
0x110: {  	[tilespmem:v35+s11+$0x0] =	vst.idx.msk $0x3, v21  }
0x111: {  	[tilespmem:v38+s10+$0x0] =	vst.idx.msk $0x3, v56  }
0x112: {  	s21 =	sadd.s32 $0xFFFFFFF4, s18;
	v21 =	vld [tilespmem:$0x1FEE0]  }
0x113: {  	v39 =	vadd.s32 s21, v0  }
0x114: {  	v61 =	vbroadcast v29, $0xF;
	v29 =	vmul.f32 v25, v57;
	_ =	sdelay $0x1  }
0x115: {  	s13 =	spop (v2sf);
	v62 =	vmul.f32 v44, v52;
	[tilespmem:s28+$0x4000] =	vst v29  }
0x116: {  	s15 =	spop (v2sf);
	[tilespmem:v38+s11+$0x0] =	vst.idx.msk $0x3, v21  }
0x117: {  	s0 =	sadd.f32 $0.0e+00, s15;
	[tilespmem:v39+s10+$0x0] =	vst.idx.msk $0x3, v62  }
0x118: {  	s20 =	sadd.s32 $0xFFFFFFF6, s18;
	s17 =	spop (v2sf);
	v34 =	vld [tilespmem:$0x1FF00]  }
0x119: {  	v27 =	vadd.s32 s20, v0;
	s4 =	sadd.f32 s17, s0  }
0x11a: {  	v31 =	vbroadcast v40, $0xF  }
0x11b: {  	s1 =	sadd.f32 s13, s4  }
0x11c: {  	s22 =	spop (v2sf);
	vm2 =	vle.f32 v31, v22;
	v31 =	vmul.f32 v50, v52  }
0x11d: {  	s1 =	sadd.f32 s22, s1;
	v17 =	vld [tilespmem:$0x1FEF0];
	[tilespmem:v39+s11+$0x0] =	vst.idx.msk $0x3, v34  }
0x11e: {  	[tilespmem:v27+s10+$0x0] =	vst.idx.msk $0x3, v31  }
0x11f: {  	s23 =	sadd.s32 $0xFFFFFFF8, s18;
	v42 =	vmov s1;
	v39 =	vld [tilespmem:$0x1FF30]  }
0x120: {  	v26 =	vadd.s32 s23, v0;
	(erf) = vrcp.f32 v42;
	_ =	sdelay $0x2  }
0x121: {  	v14 =	vmul.f32 v48, v52;
	v37 =	vld [tilespmem:$0x1FF10]  }
0x122: {  	v38 =	vld [tilespmem:$0x1FF20];
	[tilespmem:v27+s11+$0x0] =	vst.idx.msk $0x3, v39  }
0x123: {  	[tilespmem:v26+s10+$0x0] =	vst.idx.msk $0x3, v14  }
0x124: {  	s24 =	sadd.s32 $0xFFFFFFFA, s18;
	v20 =	vld [tilespmem:$0x1FF40]  }
0x125: {  	v58 =	vadd.s32 s24, v0;
	_ =	sdelay $0x1  }
0x126: {  	v40 =	vpop (erf)  }
0x127: {  	v55 =	vsel vm0, $0x0, v43;
	v43 =	vmul.f32 v46, v40  }
0x128: {  	[tilespmem:v26+s11+$0x0] =	vst.idx.msk $0x3, v20  }
0x129: {  	v21 =	vld [tilespmem:$0x1FF50];
	[tilespmem:v58+s10+$0x0] =	vst.idx.msk $0x3, v43  }
0x12a: {  	s25 =	sadd.s32 $0xFFFFFFFC, s18;
	v50 =	vld [tilespmem:$0x1FF80]  }
0x12b: {  	v63 =	vadd.s32 s25, v0;
	_ =	sdelay $0x2  }
0x12c: {  	v46 =	vmul.f32 v49, v40;
	v14 =	vld [tilespmem:$0x1FF60]  }
0x12d: {  	v48 =	vld [tilespmem:$0x1FF70];
	[tilespmem:v58+s11+$0x0] =	vst.idx.msk $0x3, v50  }
0x12e: {  	[tilespmem:v63+s10+$0x0] =	vst.idx.msk $0x3, v46  }
0x12f: {  	s26 =	sadd.s32 $0xFFFFFFFE, s18;
	v33 =	vbroadcast v53, $0xF;
	v53 =	vld [tilespmem:$0x1FFA0]  }
0x130: {  	v35 =	vadd.s32 s26, v0  }
0x131: {  	v30 =	vbroadcast v41, $0xF  }
0x132: {  	(xrf2) =	vadd.scan.msk.f32 $0xffff, v55  }
0x133: {  	v7 =	vbroadcast v7, $0xF;
	vm3 =	vle.f32 v30, v10;
	v52 =	vmul.f32 v60, v40  }
0x134: {  	v54 =	vsel vm3, $0x3F800000, v5;
	v19 =	vld [tilespmem:$0x1FF90];
	[tilespmem:v63+s11+$0x0] =	vst.idx.msk $0x3, v53  }
0x135: {  	vm3 =	vle.f32 v7, v15;
	v7 =	vadd.f32 v54, v18;
	v18 =	vld [tilespmem:$0x1FFB0];
	[tilespmem:v35+s10+$0x0] =	vst.idx.msk $0x3, v52  }
0x136: {  	v16 =	vadd.f32 v28, v16;
	v30 =	vsel vm2, $0x3F800000, v5;
	vm2 =	vle.f32 v61, v6;
	v56 =	vld [tilespmem:$0x1FFD0]  }
0x137: {  	v13 =	vbroadcast v13, $0xF;
	v36 =	vadd.s32 s18, v0;
	v32 =	vsel vm2, $0x3F800000, v5  }
0x138: {  	v9 =	vbroadcast v9, $0xF;
	v12 =	vadd.f32 v32, v12;
	v6 =	vsel vm3, $0x3F800000, v5  }
0x139: {  	v44 =	vbroadcast v59, $0xF;
	v7 =	vadd.f32 v30, v7;
	v6 =	vadd.f32 v6, v16  }
0x13a: {  	v16 =	vmul.f32 v47, v40;
	v17 =	vbroadcast v17, $0xF;
	vm3 =	vle.f32 v33, v38  }
0x13b: {  	v41 =	vsel vm3, $0x3F800000, v5;
	vm3 =	vle.f32 v44, v14;
	v14 =	vbroadcast v48, $0xF;
	v55 =	vld [tilespmem:$0x1FFC0];
	[tilespmem:v35+s11+$0x0] =	vst.idx.msk $0x3, v56  }
0x13c: {  	v42 =	vbroadcast v51, $0xF;
	v12 =	vadd.f32 v24, v12;
	v49, _, _ =	vpop (xrf2);
	vm2 =	vle.f32 v17, v37;
	v59 =	vld [tilespmem:$0x1FFE0];
	[tilespmem:v36+s10+$0x0] =	vst.idx.msk $0x3, v16  }
0x13d: {  	v17 =	vbroadcast v49, $0xF;
	v51 =	vsel vm3, $0x3F800000, v5;
	vm3 =	vle.f32 v14, v19;
	v61 =	vld [tilespmem:$0x1FFF0]  }
0x13e: {  	v45 =	vsel vm2, $0x3F800000, v5;
	v11 =	vadd.f32 v41, v11;
	v54 =	vsel vm3, $0x3F800000, v5  }
0x13f: {  	v6 =	vadd.f32 v45, v6;
	v57 =	vadd.f32 v54, v12;
	vm3 =	vle.f32 v17, v18  }
0x140: {  	vm2 =	vle.f32 v42, v21;
	v17 =	vsel vm3, $0x3F800000, v5;
	vm3 =	vle.f32 v9, v55  }
0x141: {  	v8 =	vadd.f32 v51, v57;
	v58 =	vsel vm3, $0x3F800000, v5;
	v6 =	vadd.f32 v17, v6  }
0x142: {  	v60 =	vsel vm2, $0x3F800000, v5;
	v7 =	vadd.f32 v58, v7;
	vm3 =	vle.f32 v13, v59;
	[tilespmem:v36+s11+$0x0] =	vst.idx.msk $0x3, v61  }
0x143: {  	v62 =	vadd.f32 v60, v11;
	v63 =	vsel vm3, $0x3F800000, v5;
	[tilespmem:$0x9000] =	vst v6  }
0x144: {  	v6 =	vadd.f32 v63, v7;
	[tilespmem:$0x9010] =	vst v8  }
0x145: {  	[tilespmem:$0x9020] =	vst v62  }
0x146: {  	s29 =	simm.s32 $0x4000;
	s28 =	rddreg [dreg:$0x7];
	[tilespmem:$0x9030] =	vst v6  }
0x147: {  	[hbm4b:s28+s2] =	stream.linear.scatter [tilespmem:s29], [sflag:$0x1], $0x4000, $0x38;
	[tilespmem:$0x9080] =	vst v63  }
0x148: {  	_ =	swait.ge [sflag:s9], $0x4000  }
0x149: {  	[sflag:s9] =	ssyncset.done $0x0  }
0x14a: {  	s30 =	rddreg [dreg:$0x8];
	[sflag:s9] =	ssyncadd.s32 $0xFFFFC000  }
0x14b: {  	[hbm4b:s30+s2] =	stream.linear.scatter [tilespmem:s10], [sflag:$0x1], $0x800, $0x38;
	[tilespmem:$0x9080] =	vst v63  }
0x14c: {  	_ =	swait.ge [sflag:s9], $0x800  }
0x14d: {  	[sflag:s9] =	ssyncset.done $0x0  }
0x14e: {  	[sflag:s9] =	ssyncadd.s32 $0xFFFFF800  }
0x14f: {  	[hbm4b:s6+s2] =	stream.linear.scatter [tilespmem:s11], [sflag:$0x1], $0x800, $0x38;
	[tilespmem:$0x9080] =	vst v63  }
0x150: {  	s14 =	sadd.s32 $0x1, s14;
	_ =	swait.ge [sflag:s9], $0x800  }
0x151: {  	p0 =	sne.s32 s14, s8;
	[sflag:s9] =	ssyncset.done $0x0  }
.Ltmp1:
0x152: {  	s31 =	simm.s32 $0x9000;
	[sflag:s9] =	ssyncadd.s32 $0xFFFFF800;
	(pc) =	sbr.rel @p0 .LBB2_1-.Ltmp1, $4  }
0x153: {  	[hbm4b:s7+s2] =	stream.linear.scatter [tilespmem:s31], [sflag:$0x1], $0x40, $0x38;
	[tilespmem:$0x9080] =	vst v63  }
0x154: {  	_ =	swait.ge [sflag:s9], $0x40  }
0x155: {  	[sflag:s9] =	ssyncset.done $0x0  }
0x156: {  	[sflag:s9] =	ssyncadd.s32 $0xFFFFFFC0  }
0x157: {  	_ =	sfence.sel $0x180000  }
0x158: {  	[bflag:$0x0] =	sbarrier.arrive $0xFFFF  }
0x159: {  	_ =	strace $0x90000047  }
0x15a: {  	s0 =	stileid.u32;
	[bflag:$0x2] =	sbarrier.arrive $0xFFFF  }
0x15b: {  	p0 =	sne.s32 s0, $0x0;
	s0 =	rddreg [dreg:$0x5]  }
0x15c: {  	s0 =	sadd.s32 @!p0 $0x100000, s0  }
0x15d: {  	[sflag:s0] =	ssyncadd.tile.s32 @!p0 $0x1;
	_ =	shalt  }
.Lfunc_end2:
_tile_overlayer_lowered:
.L_overlay_start_2:
0x15e: {  	(tag) =	ssettag $0x2  }
0x15f: {  	s0 =	rddreg [dreg:$0x0];
	s2 =	stileid.u32  }
0x160: {  	s1 =	rddreg [dreg:$0x1];
	p0 =	sne.s32 s2, $0x0  }
0x161: {  	s3 =	rddreg [dreg:$0x2];
	[bflag:$0x3] =	sbarrier.arrive $0xFFFF;
	s2 =	simm.s32 @!p0 $0x1C01  }
0x162: {  	[timem:s3], [sflag:s2] =	dma.local @!p0 [hbm:s0], s1  }
0x163: {  	s0 =	simm.s32 @!p0 $0x1  }
0x164: {  	_ =	swait.ge @!p0 [sflag:s0], s1  }
0x165: {  	s1 =	ssub.s32 @!p0 $0x0, s1;
	[sflag:s0] =	ssyncset.done @!p0 $0x0  }
0x166: {  	[sflag:s0] =	ssyncadd.s32 @!p0 s1  }
0x167: {  	[bflag:$0x3] =	sbarrier.arrive $0xFFFF  }
0x168: {  	_ =	shalt  }

</sc_bundles>
